<compile_context>
chip_gen: v7x
topology: tpu7x:2x2x1
jax: 0.10.2.dev20260603
libtpu: 0.0.44.dev20260713+nightly
codegen_flags: <defaults>
</compile_context>

<pallas_src>
import functools

import jax
import jax.numpy as jnp
from jax import lax
from jax.experimental import pallas as pl
from jax.experimental.pallas import tpu as pltpu
from jax.experimental.pallas import tpu_sc as plsc

_OBJECT_NUM = 1024
_ATTR = 8
_ATTR_SHIFT = 3
_E_DIMS = 256
_BATCH = 4
_SEQ = 8192

_L = 16
_NW = 32
_SLICE = _SEQ // _NW
_CHUNK = 128
_NCHUNK = _SLICE // _CHUNK

_mesh = plsc.VectorSubcoreMesh(core_axis_name="c", subcore_axis_name="s")


@functools.partial(
    pl.kernel,
    mesh=_mesh,
    out_type=jax.ShapeDtypeStruct((_BATCH * _SEQ, _E_DIMS), jnp.float32),
    scratch_types=[
        pltpu.VMEM((_SLICE // _ATTR, _E_DIMS), jnp.float32),
        pltpu.VMEM((_SLICE, _E_DIMS), jnp.float32),
        pltpu.SemaphoreType.DMA,
        pltpu.SemaphoreType.DMA,
    ],
)
def _pos_broadcast(e_hbm, out_hbm, ebuf, buf, isem, osem):
    wid = lax.axis_index("s") * 2 + lax.axis_index("c")
    s0 = wid * _SLICE

    rows = _SLICE // _ATTR
    e0 = pl.multiple_of(lax.shift_right_logical(s0, _ATTR_SHIFT), rows)
    pltpu.async_copy(e_hbm.at[pl.ds(e0, rows)], ebuf, isem).wait()

    def expand(r, carry):
        for i in range(_E_DIMS // _L):
            v = ebuf[r, pl.ds(i * _L, _L)]
            for k in range(_ATTR):
                buf[r * _ATTR + k, pl.ds(i * _L, _L)] = v
        return carry

    lax.fori_loop(0, rows, expand, 0)

    outs = [
        pltpu.async_copy(buf, out_hbm.at[pl.ds(b * _SEQ + s0, _SLICE)], osem)
        for b in range(_BATCH)
    ]
    for o in outs:
        o.wait()


def kernel(x, E_absolute_position):
    del x
    flat = _pos_broadcast(E_absolute_position)
    return flat.reshape(_BATCH, _SEQ, _E_DIMS)

# --- scband reference (transcript-rebuilt; emitter-appended) ---
"""Pipeline reference for scband-absolute-position-encoding-40252433498315 (READ-ONLY COPY).

The authoritative reference and input builder live on the scoring server;
editing this copy changes nothing except your own understanding.
"""

import jax, jax.numpy as jnp
import numpy as np

OBJECT_NUM = 1024
ATTRIBUTES_NUM = 8
E_DIMS = 256


def setup_inputs(seed: int = 0) -> dict:
    key = jax.random.key(seed)
    k1, k2 = jax.random.split(key)
    x = jax.random.randint(k1, (4, 8192), 0, 1000)
    E_absolute_position = jax.random.normal(k2, (OBJECT_NUM, E_DIMS), dtype=jnp.float32)
    return {"x": x, "E_absolute_position": E_absolute_position}


def reference(x, E_absolute_position):
    # Faithful translation: sequence[b, t] = E_absolute_position[t // attributes_num]
    batch_size = x.shape[0]
    sequence_length = x.shape[1]
    idx = jnp.arange(sequence_length) // ATTRIBUTES_NUM  # int index per token
    seq = jnp.take(E_absolute_position, idx, axis=0)     # [S, E_dims] gather
    out = jnp.broadcast_to(seq[None, :, :], (batch_size, sequence_length, E_DIMS))
    return out

if __name__ == "__main__":
    import jax
    _d = setup_inputs()
    print(jax.jit(kernel)(*tuple(_d.values())))

</pallas_src>

<mosaic_0001>
#map = affine_map<(d0, d1) -> (0, 0)>
module attributes {stable_mosaic.version = 14 : i64} {
  func.func @_pos_broadcast(%arg0: i32, %arg1: i32, %arg2: memref<1024x256xf32, #tpu.memory_space<hbm>>, %arg3: memref<32768x256xf32, #tpu.memory_space<hbm>>, %arg4: memref<32x256xf32, #tpu.memory_space<vmem>>, %arg5: memref<256x256xf32, #tpu.memory_space<vmem>>, %arg6: memref<!tpu.dma_semaphore, #tpu.memory_space<semaphore_mem>>, %arg7: memref<!tpu.dma_semaphore, #tpu.memory_space<semaphore_mem>>) attributes {dimension_semantics = [#tpu.dimension_semantics<core_parallel>, #tpu.dimension_semantics<subcore_parallel>], iteration_bounds = array<i64: 2, 16>, scalar_prefetch = 0 : i64, scratch_operands = 4 : i64, tpu.core_type = #tpu.core_type<sc_vector_subcore>, window_params = [{transform_indices = #map}, {transform_indices = #map}]} {
    %mul3A = arith.constant 2 : i32
    %mul3A_0 = arith.muli %arg1, %mul3A : i32
    %add3A = arith.addi %mul3A_0, %arg0 : i32
    %mul3A_1 = arith.constant 256 : i32
    %mul3A_2 = arith.muli %add3A, %mul3A_1 : i32
    %shift_right_logical3A = arith.constant 3 : i32
    %shift_right_logical3A_3 = arith.shrui %mul3A_2, %shift_right_logical3A : i32
    %multiple_of3A = tpu.assume_multiple %shift_right_logical3A_3, 32 : i32
    %dma_start3A = arith.constant 0 : i32
    %dma_start3A_4 = tpu.memref_slice %arg2[%multiple_of3A, %dma_start3A] : memref<1024x256xf32, #tpu.memory_space<hbm>> -> memref<32x256xf32, #tpu.memory_space<hbm>>
    %dma_start3A_5 = arith.constant 0 : i32
    %dma_start3A_6 = tpu.memref_slice %arg2[%multiple_of3A, %dma_start3A_5] : memref<1024x256xf32, #tpu.memory_space<hbm>> -> memref<32x256xf32, #tpu.memory_space<hbm>>
    tpu.enqueue_dma source(%dma_start3A_6 : memref<32x256xf32, #tpu.memory_space<hbm>>) target(%arg4 : memref<32x256xf32, #tpu.memory_space<vmem>>) target_semaphore(%arg6 : memref<!tpu.dma_semaphore, #tpu.memory_space<semaphore_mem>>)
    %dma_wait3A = arith.constant 0 : i32
    %dma_wait3A_7 = tpu.memref_slice %arg2[%multiple_of3A, %dma_wait3A] : memref<1024x256xf32, #tpu.memory_space<hbm>> -> memref<32x256xf32, #tpu.memory_space<hbm>>
    %dma_wait3A_8 = arith.constant 0 : i32
    %dma_wait3A_9 = tpu.memref_slice %arg2[%multiple_of3A, %dma_wait3A_8] : memref<1024x256xf32, #tpu.memory_space<hbm>> -> memref<32x256xf32, #tpu.memory_space<hbm>>
    tpu.wait_dma2 semaphore(%arg6 : memref<!tpu.dma_semaphore, #tpu.memory_space<semaphore_mem>>) src(%dma_wait3A_9 : memref<32x256xf32, #tpu.memory_space<hbm>>) dst(%arg4 : memref<32x256xf32, #tpu.memory_space<vmem>>)
    %scan3A = arith.constant 0 : i32
    %scan3A_10 = arith.constant 0 : i32
    %scan3A_11 = arith.constant 32 : i32
    %scan3A_12 = arith.addi %scan3A_10, %scan3A_11 : i32
    %scan3A_13 = arith.constant 1 : i32
    scf.for %scan3A_55 = %scan3A_10 to %scan3A_12 step %scan3A_13  : i32 {
      %get3A = arith.index_cast %scan3A_55 : i32 to index
      %get3A_56 = arith.constant 0 : index
      %get3A_57 = tpu.vector_load %arg4[%get3A, %get3A_56] {strides = array<i32>} : memref<32x256xf32, #tpu.memory_space<vmem>>, vector<1x16xf32>,
      %get3A_58 = vector.shape_cast %get3A_57 : vector<1x16xf32> to vector<16xf32>
      %mul3A_59 = arith.constant 8 : i32
      %mul3A_60 = arith.muli %scan3A_55, %mul3A_59 : i32
      %add3A_61 = arith.constant 0 : i32
      %add3A_62 = arith.addi %mul3A_60, %add3A_61 : i32
      %swap3A = arith.index_cast %add3A_62 : i32 to index
      %swap3A_63 = arith.constant 0 : index
      %swap3A_64 = tpu.vector_load %arg5[%swap3A, %swap3A_63] {strides = array<i32>} : memref<256x256xf32, #tpu.memory_space<vmem>>, vector<1x16xf32>,
      %swap3A_65 = vector.shape_cast %swap3A_64 : vector<1x16xf32> to vector<16xf32>
      %swap3A_66 = vector.shape_cast %get3A_58 : vector<16xf32> to vector<1x16xf32>
      tpu.vector_store %arg5[%swap3A, %swap3A_63], %swap3A_66 {strides = array<i32>} : memref<256x256xf32, #tpu.memory_space<vmem>>, vector<1x16xf32>,
      %mul3A_67 = arith.constant 8 : i32
      %mul3A_68 = arith.muli %scan3A_55, %mul3A_67 : i32
      %add3A_69 = arith.constant 1 : i32
      %add3A_70 = arith.addi %mul3A_68, %add3A_69 : i32
      %swap3A_71 = arith.index_cast %add3A_70 : i32 to index
      %swap3A_72 = arith.constant 0 : index
      %swap3A_73 = tpu.vector_load %arg5[%swap3A_71, %swap3A_72] {strides = array<i32>} : memref<256x256xf32, #tpu.memory_space<vmem>>, vector<1x16xf32>,
      %swap3A_74 = vector.shape_cast %swap3A_73 : vector<1x16xf32> to vector<16xf32>
      %swap3A_75 = vector.shape_cast %get3A_58 : vector<16xf32> to vector<1x16xf32>
      tpu.vector_store %arg5[%swap3A_71, %swap3A_72], %swap3A_75 {strides = array<i32>} : memref<256x256xf32, #tpu.memory_space<vmem>>, vector<1x16xf32>,
      %mul3A_76 = arith.constant 8 : i32
      %mul3A_77 = arith.muli %scan3A_55, %mul3A_76 : i32
      %add3A_78 = arith.constant 2 : i32
      %add3A_79 = arith.addi %mul3A_77, %add3A_78 : i32
      %swap3A_80 = arith.index_cast %add3A_79 : i32 to index
      %swap3A_81 = arith.constant 0 : index
      %swap3A_82 = tpu.vector_load %arg5[%swap3A_80, %swap3A_81] {strides = array<i32>} : memref<256x256xf32, #tpu.memory_space<vmem>>, vector<1x16xf32>,
      %swap3A_83 = vector.shape_cast %swap3A_82 : vector<1x16xf32> to vector<16xf32>
      %swap3A_84 = vector.shape_cast %get3A_58 : vector<16xf32> to vector<1x16xf32>
      tpu.vector_store %arg5[%swap3A_80, %swap3A_81], %swap3A_84 {strides = array<i32>} : memref<256x256xf32, #tpu.memory_space<vmem>>, vector<1x16xf32>,
      %mul3A_85 = arith.constant 8 : i32
      %mul3A_86 = arith.muli %scan3A_55, %mul3A_85 : i32
      %add3A_87 = arith.constant 3 : i32
      %add3A_88 = arith.addi %mul3A_86, %add3A_87 : i32
      %swap3A_89 = arith.index_cast %add3A_88 : i32 to index
      %swap3A_90 = arith.constant 0 : index
      %swap3A_91 = tpu.vector_load %arg5[%swap3A_89, %swap3A_90] {strides = array<i32>} : memref<256x256xf32, #tpu.memory_space<vmem>>, vector<1x16xf32>,
      %swap3A_92 = vector.shape_cast %swap3A_91 : vector<1x16xf32> to vector<16xf32>
      %swap3A_93 = vector.shape_cast %get3A_58 : vector<16xf32> to vector<1x16xf32>
      tpu.vector_store %arg5[%swap3A_89, %swap3A_90], %swap3A_93 {strides = array<i32>} : memref<256x256xf32, #tpu.memory_space<vmem>>, vector<1x16xf32>,
      %mul3A_94 = arith.constant 8 : i32
      %mul3A_95 = arith.muli %scan3A_55, %mul3A_94 : i32
      %add3A_96 = arith.constant 4 : i32
      %add3A_97 = arith.addi %mul3A_95, %add3A_96 : i32
      %swap3A_98 = arith.index_cast %add3A_97 : i32 to index
      %swap3A_99 = arith.constant 0 : index
      %swap3A_100 = tpu.vector_load %arg5[%swap3A_98, %swap3A_99] {strides = array<i32>} : memref<256x256xf32, #tpu.memory_space<vmem>>, vector<1x16xf32>,
      %swap3A_101 = vector.shape_cast %swap3A_100 : vector<1x16xf32> to vector<16xf32>
      %swap3A_102 = vector.shape_cast %get3A_58 : vector<16xf32> to vector<1x16xf32>
      tpu.vector_store %arg5[%swap3A_98, %swap3A_99], %swap3A_102 {strides = array<i32>} : memref<256x256xf32, #tpu.memory_space<vmem>>, vector<1x16xf32>,
      %mul3A_103 = arith.constant 8 : i32
      %mul3A_104 = arith.muli %scan3A_55, %mul3A_103 : i32
      %add3A_105 = arith.constant 5 : i32
      %add3A_106 = arith.addi %mul3A_104, %add3A_105 : i32
      %swap3A_107 = arith.index_cast %add3A_106 : i32 to index
      %swap3A_108 = arith.constant 0 : index
      %swap3A_109 = tpu.vector_load %arg5[%swap3A_107, %swap3A_108] {strides = array<i32>} : memref<256x256xf32, #tpu.memory_space<vmem>>, vector<1x16xf32>,
      %swap3A_110 = vector.shape_cast %swap3A_109 : vector<1x16xf32> to vector<16xf32>
      %swap3A_111 = vector.shape_cast %get3A_58 : vector<16xf32> to vector<1x16xf32>
      tpu.vector_store %arg5[%swap3A_107, %swap3A_108], %swap3A_111 {strides = array<i32>} : memref<256x256xf32, #tpu.memory_space<vmem>>, vector<1x16xf32>,
      %mul3A_112 = arith.constant 8 : i32
      %mul3A_113 = arith.muli %scan3A_55, %mul3A_112 : i32
      %add3A_114 = arith.constant 6 : i32
      %add3A_115 = arith.addi %mul3A_113, %add3A_114 : i32
      %swap3A_116 = arith.index_cast %add3A_115 : i32 to index
      %swap3A_117 = arith.constant 0 : index
      %swap3A_118 = tpu.vector_load %arg5[%swap3A_116, %swap3A_117] {strides = array<i32>} : memref<256x256xf32, #tpu.memory_space<vmem>>, vector<1x16xf32>,
      %swap3A_119 = vector.shape_cast %swap3A_118 : vector<1x16xf32> to vector<16xf32>
      %swap3A_120 = vector.shape_cast %get3A_58 : vector<16xf32> to vector<1x16xf32>
      tpu.vector_store %arg5[%swap3A_116, %swap3A_117], %swap3A_120 {strides = array<i32>} : memref<256x256xf32, #tpu.memory_space<vmem>>, vector<1x16xf32>,
      %mul3A_121 = arith.constant 8 : i32
      %mul3A_122 = arith.muli %scan3A_55, %mul3A_121 : i32
      %add3A_123 = arith.constant 7 : i32
      %add3A_124 = arith.addi %mul3A_122, %add3A_123 : i32
      %swap3A_125 = arith.index_cast %add3A_124 : i32 to index
      %swap3A_126 = arith.constant 0 : index
      %swap3A_127 = tpu.vector_load %arg5[%swap3A_125, %swap3A_126] {strides = array<i32>} : memref<256x256xf32, #tpu.memory_space<vmem>>, vector<1x16xf32>,
      %swap3A_128 = vector.shape_cast %swap3A_127 : vector<1x16xf32> to vector<16xf32>
      %swap3A_129 = vector.shape_cast %get3A_58 : vector<16xf32> to vector<1x16xf32>
      tpu.vector_store %arg5[%swap3A_125, %swap3A_126], %swap3A_129 {strides = array<i32>} : memref<256x256xf32, #tpu.memory_space<vmem>>, vector<1x16xf32>,
      %get3A_130 = arith.index_cast %scan3A_55 : i32 to index
      %get3A_131 = arith.constant 16 : index
      %get3A_132 = tpu.vector_load %arg4[%get3A_130, %get3A_131] {strides = array<i32>} : memref<32x256xf32, #tpu.memory_space<vmem>>, vector<1x16xf32>,
      %get3A_133 = vector.shape_cast %get3A_132 : vector<1x16xf32> to vector<16xf32>
      %mul3A_134 = arith.constant 8 : i32
      %mul3A_135 = arith.muli %scan3A_55, %mul3A_134 : i32
      %add3A_136 = arith.constant 0 : i32
      %add3A_137 = arith.addi %mul3A_135, %add3A_136 : i32
      %swap3A_138 = arith.index_cast %add3A_137 : i32 to index
      %swap3A_139 = arith.constant 16 : index
      %swap3A_140 = tpu.vector_load %arg5[%swap3A_138, %swap3A_139] {strides = array<i32>} : memref<256x256xf32, #tpu.memory_space<vmem>>, vector<1x16xf32>,
      %swap3A_141 = vector.shape_cast %swap3A_140 : vector<1x16xf32> to vector<16xf32>
      %swap3A_142 = vector.shape_cast %get3A_133 : vector<16xf32> to vector<1x16xf32>
      tpu.vector_store %arg5[%swap3A_138, %swap3A_139], %swap3A_142 {strides = array<i32>} : memref<256x256xf32, #tpu.memory_space<vmem>>, vector<1x16xf32>,
      %mul3A_143 = arith.constant 8 : i32
      %mul3A_144 = arith.muli %scan3A_55, %mul3A_143 : i32
      %add3A_145 = arith.constant 1 : i32
      %add3A_146 = arith.addi %mul3A_144, %add3A_145 : i32
      %swap3A_147 = arith.index_cast %add3A_146 : i32 to index
      %swap3A_148 = arith.constant 16 : index
      %swap3A_149 = tpu.vector_load %arg5[%swap3A_147, %swap3A_148] {strides = array<i32>} : memref<256x256xf32, #tpu.memory_space<vmem>>, vector<1x16xf32>,
      %swap3A_150 = vector.shape_cast %swap3A_149 : vector<1x16xf32> to vector<16xf32>
      %swap3A_151 = vector.shape_cast %get3A_133 : vector<16xf32> to vector<1x16xf32>
      tpu.vector_store %arg5[%swap3A_147, %swap3A_148], %swap3A_151 {strides = array<i32>} : memref<256x256xf32, #tpu.memory_space<vmem>>, vector<1x16xf32>,
      %mul3A_152 = arith.constant 8 : i32
      %mul3A_153 = arith.muli %scan3A_55, %mul3A_152 : i32
      %add3A_154 = arith.constant 2 : i32
      %add3A_155 = arith.addi %mul3A_153, %add3A_154 : i32
      %swap3A_156 = arith.index_cast %add3A_155 : i32 to index
      %swap3A_157 = arith.constant 16 : index
      %swap3A_158 = tpu.vector_load %arg5[%swap3A_156, %swap3A_157] {strides = array<i32>} : memref<256x256xf32, #tpu.memory_space<vmem>>, vector<1x16xf32>,
      %swap3A_159 = vector.shape_cast %swap3A_158 : vector<1x16xf32> to vector<16xf32>
      %swap3A_160 = vector.shape_cast %get3A_133 : vector<16xf32> to vector<1x16xf32>
      tpu.vector_store %arg5[%swap3A_156, %swap3A_157], %swap3A_160 {strides = array<i32>} : memref<256x256xf32, #tpu.memory_space<vmem>>, vector<1x16xf32>,
      %mul3A_161 = arith.constant 8 : i32
      %mul3A_162 = arith.muli %scan3A_55, %mul3A_161 : i32
      %add3A_163 = arith.constant 3 : i32
      %add3A_164 = arith.addi %mul3A_162, %add3A_163 : i32
      %swap3A_165 = arith.index_cast %add3A_164 : i32 to index
      %swap3A_166 = arith.constant 16 : index
      %swap3A_167 = tpu.vector_load %arg5[%swap3A_165, %swap3A_166] {strides = array<i32>} : memref<256x256xf32, #tpu.memory_space<vmem>>, vector<1x16xf32>,
      %swap3A_168 = vector.shape_cast %swap3A_167 : vector<1x16xf32> to vector<16xf32>
      %swap3A_169 = vector.shape_cast %get3A_133 : vector<16xf32> to vector<1x16xf32>
      tpu.vector_store %arg5[%swap3A_165, %swap3A_166], %swap3A_169 {strides = array<i32>} : memref<256x256xf32, #tpu.memory_space<vmem>>, vector<1x16xf32>,
      %mul3A_170 = arith.constant 8 : i32
      %mul3A_171 = arith.muli %scan3A_55, %mul3A_170 : i32
      %add3A_172 = arith.constant 4 : i32
      %add3A_173 = arith.addi %mul3A_171, %add3A_172 : i32
      %swap3A_174 = arith.index_cast %add3A_173 : i32 to index
      %swap3A_175 = arith.constant 16 : index
      %swap3A_176 = tpu.vector_load %arg5[%swap3A_174, %swap3A_175] {strides = array<i32>} : memref<256x256xf32, #tpu.memory_space<vmem>>, vector<1x16xf32>,
      %swap3A_177 = vector.shape_cast %swap3A_176 : vector<1x16xf32> to vector<16xf32>
      %swap3A_178 = vector.shape_cast %get3A_133 : vector<16xf32> to vector<1x16xf32>
      tpu.vector_store %arg5[%swap3A_174, %swap3A_175], %swap3A_178 {strides = array<i32>} : memref<256x256xf32, #tpu.memory_space<vmem>>, vector<1x16xf32>,
      %mul3A_179 = arith.constant 8 : i32
      %mul3A_180 = arith.muli %scan3A_55, %mul3A_179 : i32
      %add3A_181 = arith.constant 5 : i32
      %add3A_182 = arith.addi %mul3A_180, %add3A_181 : i32
      %swap3A_183 = arith.index_cast %add3A_182 : i32 to index
      %swap3A_184 = arith.constant 16 : index
      %swap3A_185 = tpu.vector_load %arg5[%swap3A_183, %swap3A_184] {strides = array<i32>} : memref<256x256xf32, #tpu.memory_space<vmem>>, vector<1x16xf32>,
      %swap3A_186 = vector.shape_cast %swap3A_185 : vector<1x16xf32> to vector<16xf32>
      %swap3A_187 = vector.shape_cast %get3A_133 : vector<16xf32> to vector<1x16xf32>
      tpu.vector_store %arg5[%swap3A_183, %swap3A_184], %swap3A_187 {strides = array<i32>} : memref<256x256xf32, #tpu.memory_space<vmem>>, vector<1x16xf32>,
      %mul3A_188 = arith.constant 8 : i32
      %mul3A_189 = arith.muli %scan3A_55, %mul3A_188 : i32
      %add3A_190 = arith.constant 6 : i32
      %add3A_191 = arith.addi %mul3A_189, %add3A_190 : i32
      %swap3A_192 = arith.index_cast %add3A_191 : i32 to index
      %swap3A_193 = arith.constant 16 : index
      %swap3A_194 = tpu.vector_load %arg5[%swap3A_192, %swap3A_193] {strides = array<i32>} : memref<256x256xf32, #tpu.memory_space<vmem>>, vector<1x16xf32>,
      %swap3A_195 = vector.shape_cast %swap3A_194 : vector<1x16xf32> to vector<16xf32>
      %swap3A_196 = vector.shape_cast %get3A_133 : vector<16xf32> to vector<1x16xf32>
      tpu.vector_store %arg5[%swap3A_192, %swap3A_193], %swap3A_196 {strides = array<i32>} : memref<256x256xf32, #tpu.memory_space<vmem>>, vector<1x16xf32>,
      %mul3A_197 = arith.constant 8 : i32
      %mul3A_198 = arith.muli %scan3A_55, %mul3A_197 : i32
      %add3A_199 = arith.constant 7 : i32
      %add3A_200 = arith.addi %mul3A_198, %add3A_199 : i32
      %swap3A_201 = arith.index_cast %add3A_200 : i32 to index
      %swap3A_202 = arith.constant 16 : index
      %swap3A_203 = tpu.vector_load %arg5[%swap3A_201, %swap3A_202] {strides = array<i32>} : memref<256x256xf32, #tpu.memory_space<vmem>>, vector<1x16xf32>,
      %swap3A_204 = vector.shape_cast %swap3A_203 : vector<1x16xf32> to vector<16xf32>
      %swap3A_205 = vector.shape_cast %get3A_133 : vector<16xf32> to vector<1x16xf32>
      tpu.vector_store %arg5[%swap3A_201, %swap3A_202], %swap3A_205 {strides = array<i32>} : memref<256x256xf32, #tpu.memory_space<vmem>>, vector<1x16xf32>,
      %get3A_206 = arith.index_cast %scan3A_55 : i32 to index
      %get3A_207 = arith.constant 32 : index
      %get3A_208 = tpu.vector_load %arg4[%get3A_206, %get3A_207] {strides = array<i32>} : memref<32x256xf32, #tpu.memory_space<vmem>>, vector<1x16xf32>,
      %get3A_209 = vector.shape_cast %get3A_208 : vector<1x16xf32> to vector<16xf32>
      %mul3A_210 = arith.constant 8 : i32
      %mul3A_211 = arith.muli %scan3A_55, %mul3A_210 : i32
      %add3A_212 = arith.constant 0 : i32
      %add3A_213 = arith.addi %mul3A_211, %add3A_212 : i32
      %swap3A_214 = arith.index_cast %add3A_213 : i32 to index
      %swap3A_215 = arith.constant 32 : index
      %swap3A_216 = tpu.vector_load %arg5[%swap3A_214, %swap3A_215] {strides = array<i32>} : memref<256x256xf32, #tpu.memory_space<vmem>>, vector<1x16xf32>,
      %swap3A_217 = vector.shape_cast %swap3A_216 : vector<1x16xf32> to vector<16xf32>
      %swap3A_218 = vector.shape_cast %get3A_209 : vector<16xf32> to vector<1x16xf32>
      tpu.vector_store %arg5[%swap3A_214, %swap3A_215], %swap3A_218 {strides = array<i32>} : memref<256x256xf32, #tpu.memory_space<vmem>>, vector<1x16xf32>,
      %mul3A_219 = arith.constant 8 : i32
      %mul3A_220 = arith.muli %scan3A_55, %mul3A_219 : i32
      %add3A_221 = arith.constant 1 : i32
      %add3A_222 = arith.addi %mul3A_220, %add3A_221 : i32
      %swap3A_223 = arith.index_cast %add3A_222 : i32 to index
      %swap3A_224 = arith.constant 32 : index
      %swap3A_225 = tpu.vector_load %arg5[%swap3A_223, %swap3A_224] {strides = array<i32>} : memref<256x256xf32, #tpu.memory_space<vmem>>, vector<1x16xf32>,
      %swap3A_226 = vector.shape_cast %swap3A_225 : vector<1x16xf32> to vector<16xf32>
      %swap3A_227 = vector.shape_cast %get3A_209 : vector<16xf32> to vector<1x16xf32>
      tpu.vector_store %arg5[%swap3A_223, %swap3A_224], %swap3A_227 {strides = array<i32>} : memref<256x256xf32, #tpu.memory_space<vmem>>, vector<1x16xf32>,
      %mul3A_228 = arith.constant 8 : i32
      %mul3A_229 = arith.muli %scan3A_55, %mul3A_228 : i32
      %add3A_230 = arith.constant 2 : i32
      %add3A_231 = arith.addi %mul3A_229, %add3A_230 : i32
      %swap3A_232 = arith.index_cast %add3A_231 : i32 to index
      %swap3A_233 = arith.constant 32 : index
      %swap3A_234 = tpu.vector_load %arg5[%swap3A_232, %swap3A_233] {strides = array<i32>} : memref<256x256xf32, #tpu.memory_space<vmem>>, vector<1x16xf32>,
      %swap3A_235 = vector.shape_cast %swap3A_234 : vector<1x16xf32> to vector<16xf32>
      %swap3A_236 = vector.shape_cast %get3A_209 : vector<16xf32> to vector<1x16xf32>
      tpu.vector_store %arg5[%swap3A_232, %swap3A_233], %swap3A_236 {strides = array<i32>} : memref<256x256xf32, #tpu.memory_space<vmem>>, vector<1x16xf32>,
      %mul3A_237 = arith.constant 8 : i32
      %mul3A_238 = arith.muli %scan3A_55, %mul3A_237 : i32
      %add3A_239 = arith.constant 3 : i32
      %add3A_240 = arith.addi %mul3A_238, %add3A_239 : i32
      %swap3A_241 = arith.index_cast %add3A_240 : i32 to index
      %swap3A_242 = arith.constant 32 : index
      %swap3A_243 = tpu.vector_load %arg5[%swap3A_241, %swap3A_242] {strides = array<i32>} : memref<256x256xf32, #tpu.memory_space<vmem>>, vector<1x16xf32>,
      %swap3A_244 = vector.shape_cast %swap3A_243 : vector<1x16xf32> to vector<16xf32>
      %swap3A_245 = vector.shape_cast %get3A_209 : vector<16xf32> to vector<1x16xf32>
      tpu.vector_store %arg5[%swap3A_241, %swap3A_242], %swap3A_245 {strides = array<i32>} : memref<256x256xf32, #tpu.memory_space<vmem>>, vector<1x16xf32>,
      %mul3A_246 = arith.constant 8 : i32
      %mul3A_247 = arith.muli %scan3A_55, %mul3A_246 : i32
      %add3A_248 = arith.constant 4 : i32
      %add3A_249 = arith.addi %mul3A_247, %add3A_248 : i32
      %swap3A_250 = arith.index_cast %add3A_249 : i32 to index
      %swap3A_251 = arith.constant 32 : index
      %swap3A_252 = tpu.vector_load %arg5[%swap3A_250, %swap3A_251] {strides = array<i32>} : memref<256x256xf32, #tpu.memory_space<vmem>>, vector<1x16xf32>,
      %swap3A_253 = vector.shape_cast %swap3A_252 : vector<1x16xf32> to vector<16xf32>
      %swap3A_254 = vector.shape_cast %get3A_209 : vector<16xf32> to vector<1x16xf32>
      tpu.vector_store %arg5[%swap3A_250, %swap3A_251], %swap3A_254 {strides = array<i32>} : memref<256x256xf32, #tpu.memory_space<vmem>>, vector<1x16xf32>,
      %mul3A_255 = arith.constant 8 : i32
      %mul3A_256 = arith.muli %scan3A_55, %mul3A_255 : i32
      %add3A_257 = arith.constant 5 : i32
      %add3A_258 = arith.addi %mul3A_256, %add3A_257 : i32
      %swap3A_259 = arith.index_cast %add3A_258 : i32 to index
      %swap3A_260 = arith.constant 32 : index
      %swap3A_261 = tpu.vector_load %arg5[%swap3A_259, %swap3A_260] {strides = array<i32>} : memref<256x256xf32, #tpu.memory_space<vmem>>, vector<1x16xf32>,
      %swap3A_262 = vector.shape_cast %swap3A_261 : vector<1x16xf32> to vector<16xf32>
      %swap3A_263 = vector.shape_cast %get3A_209 : vector<16xf32> to vector<1x16xf32>
      tpu.vector_store %arg5[%swap3A_259, %swap3A_260], %swap3A_263 {strides = array<i32>} : memref<256x256xf32, #tpu.memory_space<vmem>>, vector<1x16xf32>,
      %mul3A_264 = arith.constant 8 : i32
      %mul3A_265 = arith.muli %scan3A_55, %mul3A_264 : i32
      %add3A_266 = arith.constant 6 : i32
      %add3A_267 = arith.addi %mul3A_265, %add3A_266 : i32
      %swap3A_268 = arith.index_cast %add3A_267 : i32 to index
      %swap3A_269 = arith.constant 32 : index
      %swap3A_270 = tpu.vector_load %arg5[%swap3A_268, %swap3A_269] {strides = array<i32>} : memref<256x256xf32, #tpu.memory_space<vmem>>, vector<1x16xf32>,
      %swap3A_271 = vector.shape_cast %swap3A_270 : vector<1x16xf32> to vector<16xf32>
      %swap3A_272 = vector.shape_cast %get3A_209 : vector<16xf32> to vector<1x16xf32>
      tpu.vector_store %arg5[%swap3A_268, %swap3A_269], %swap3A_272 {strides = array<i32>} : memref<256x256xf32, #tpu.memory_space<vmem>>, vector<1x16xf32>,
      %mul3A_273 = arith.constant 8 : i32
      %mul3A_274 = arith.muli %scan3A_55, %mul3A_273 : i32
      %add3A_275 = arith.constant 7 : i32
      %add3A_276 = arith.addi %mul3A_274, %add3A_275 : i32
      %swap3A_277 = arith.index_cast %add3A_276 : i32 to index
      %swap3A_278 = arith.constant 32 : index
      %swap3A_279 = tpu.vector_load %arg5[%swap3A_277, %swap3A_278] {strides = array<i32>} : memref<256x256xf32, #tpu.memory_space<vmem>>, vector<1x16xf32>,
      %swap3A_280 = vector.shape_cast %swap3A_279 : vector<1x16xf32> to vector<16xf32>
      %swap3A_281 = vector.shape_cast %get3A_209 : vector<16xf32> to vector<1x16xf32>
      tpu.vector_store %arg5[%swap3A_277, %swap3A_278], %swap3A_281 {strides = array<i32>} : memref<256x256xf32, #tpu.memory_space<vmem>>, vector<1x16xf32>,
      %get3A_282 = arith.index_cast %scan3A_55 : i32 to index
      %get3A_283 = arith.constant 48 : index
      %get3A_284 = tpu.vector_load %arg4[%get3A_282, %get3A_283] {strides = array<i32>} : memref<32x256xf32, #tpu.memory_space<vmem>>, vector<1x16xf32>,
      %get3A_285 = vector.shape_cast %get3A_284 : vector<1x16xf32> to vector<16xf32>
      %mul3A_286 = arith.constant 8 : i32
      %mul3A_287 = arith.muli %scan3A_55, %mul3A_286 : i32
      %add3A_288 = arith.constant 0 : i32
      %add3A_289 = arith.addi %mul3A_287, %add3A_288 : i32
      %swap3A_290 = arith.index_cast %add3A_289 : i32 to index
      %swap3A_291 = arith.constant 48 : index
      %swap3A_292 = tpu.vector_load %arg5[%swap3A_290, %swap3A_291] {strides = array<i32>} : memref<256x256xf32, #tpu.memory_space<vmem>>, vector<1x16xf32>,
      %swap3A_293 = vector.shape_cast %swap3A_292 : vector<1x16xf32> to vector<16xf32>
      %swap3A_294 = vector.shape_cast %get3A_285 : vector<16xf32> to vector<1x16xf32>
      tpu.vector_store %arg5[%swap3A_290, %swap3A_291], %swap3A_294 {strides = array<i32>} : memref<256x256xf32, #tpu.memory_space<vmem>>, vector<1x16xf32>,
      %mul3A_295 = arith.constant 8 : i32
      %mul3A_296 = arith.muli %scan3A_55, %mul3A_295 : i32
      %add3A_297 = arith.constant 1 : i32
      %add3A_298 = arith.addi %mul3A_296, %add3A_297 : i32
      %swap3A_299 = arith.index_cast %add3A_298 : i32 to index
      %swap3A_300 = arith.constant 48 : index
      %swap3A_301 = tpu.vector_load %arg5[%swap3A_299, %swap3A_300] {strides = array<i32>} : memref<256x256xf32, #tpu.memory_space<vmem>>, vector<1x16xf32>,
      %swap3A_302 = vector.shape_cast %swap3A_301 : vector<1x16xf32> to vector<16xf32>
      %swap3A_303 = vector.shape_cast %get3A_285 : vector<16xf32> to vector<1x16xf32>
      tpu.vector_store %arg5[%swap3A_299, %swap3A_300], %swap3A_303 {strides = array<i32>} : memref<256x256xf32, #tpu.memory_space<vmem>>, vector<1x16xf32>,
      %mul3A_304 = arith.constant 8 : i32
      %mul3A_305 = arith.muli %scan3A_55, %mul3A_304 : i32
      %add3A_306 = arith.constant 2 : i32
      %add3A_307 = arith.addi %mul3A_305, %add3A_306 : i32
      %swap3A_308 = arith.index_cast %add3A_307 : i32 to index
      %swap3A_309 = arith.constant 48 : index
      %swap3A_310 = tpu.vector_load %arg5[%swap3A_308, %swap3A_309] {strides = array<i32>} : memref<256x256xf32, #tpu.memory_space<vmem>>, vector<1x16xf32>,
      %swap3A_311 = vector.shape_cast %swap3A_310 : vector<1x16xf32> to vector<16xf32>
      %swap3A_312 = vector.shape_cast %get3A_285 : vector<16xf32> to vector<1x16xf32>
      tpu.vector_store %arg5[%swap3A_308, %swap3A_309], %swap3A_312 {strides = array<i32>} : memref<256x256xf32, #tpu.memory_space<vmem>>, vector<1x16xf32>,
      %mul3A_313 = arith.constant 8 : i32
      %mul3A_314 = arith.muli %scan3A_55, %mul3A_313 : i32
      %add3A_315 = arith.constant 3 : i32
      %add3A_316 = arith.addi %mul3A_314, %add3A_315 : i32
      %swap3A_317 = arith.index_cast %add3A_316 : i32 to index
      %swap3A_318 = arith.constant 48 : index
      %swap3A_319 = tpu.vector_load %arg5[%swap3A_317, %swap3A_318] {strides = array<i32>} : memref<256x256xf32, #tpu.memory_space<vmem>>, vector<1x16xf32>,
      %swap3A_320 = vector.shape_cast %swap3A_319 : vector<1x16xf32> to vector<16xf32>
      %swap3A_321 = vector.shape_cast %get3A_285 : vector<16xf32> to vector<1x16xf32>
      tpu.vector_store %arg5[%swap3A_317, %swap3A_318], %swap3A_321 {strides = array<i32>} : memref<256x256xf32, #tpu.memory_space<vmem>>, vector<1x16xf32>,
      %mul3A_322 = arith.constant 8 : i32
      %mul3A_323 = arith.muli %scan3A_55, %mul3A_322 : i32
      %add3A_324 = arith.constant 4 : i32
      %add3A_325 = arith.addi %mul3A_323, %add3A_324 : i32
      %swap3A_326 = arith.index_cast %add3A_325 : i32 to index
      %swap3A_327 = arith.constant 48 : index
      %swap3A_328 = tpu.vector_load %arg5[%swap3A_326, %swap3A_327] {strides = array<i32>} : memref<256x256xf32, #tpu.memory_space<vmem>>, vector<1x16xf32>,
      %swap3A_329 = vector.shape_cast %swap3A_328 : vector<1x16xf32> to vector<16xf32>
      %swap3A_330 = vector.shape_cast %get3A_285 : vector<16xf32> to vector<1x16xf32>
      tpu.vector_store %arg5[%swap3A_326, %swap3A_327], %swap3A_330 {strides = array<i32>} : memref<256x256xf32, #tpu.memory_space<vmem>>, vector<1x16xf32>,
      %mul3A_331 = arith.constant 8 : i32
      %mul3A_332 = arith.muli %scan3A_55, %mul3A_331 : i32
      %add3A_333 = arith.constant 5 : i32
      %add3A_334 = arith.addi %mul3A_332, %add3A_333 : i32
      %swap3A_335 = arith.index_cast %add3A_334 : i32 to index
      %swap3A_336 = arith.constant 48 : index
      %swap3A_337 = tpu.vector_load %arg5[%swap3A_335, %swap3A_336] {strides = array<i32>} : memref<256x256xf32, #tpu.memory_space<vmem>>, vector<1x16xf32>,
      %swap3A_338 = vector.shape_cast %swap3A_337 : vector<1x16xf32> to vector<16xf32>
      %swap3A_339 = vector.shape_cast %get3A_285 : vector<16xf32> to vector<1x16xf32>
      tpu.vector_store %arg5[%swap3A_335, %swap3A_336], %swap3A_339 {strides = array<i32>} : memref<256x256xf32, #tpu.memory_space<vmem>>, vector<1x16xf32>,
      %mul3A_340 = arith.constant 8 : i32
      %mul3A_341 = arith.muli %scan3A_55, %mul3A_340 : i32
      %add3A_342 = arith.constant 6 : i32
      %add3A_343 = arith.addi %mul3A_341, %add3A_342 : i32
      %swap3A_344 = arith.index_cast %add3A_343 : i32 to index
      %swap3A_345 = arith.constant 48 : index
      %swap3A_346 = tpu.vector_load %arg5[%swap3A_344, %swap3A_345] {strides = array<i32>} : memref<256x256xf32, #tpu.memory_space<vmem>>, vector<1x16xf32>,
      %swap3A_347 = vector.shape_cast %swap3A_346 : vector<1x16xf32> to vector<16xf32>
      %swap3A_348 = vector.shape_cast %get3A_285 : vector<16xf32> to vector<1x16xf32>
      tpu.vector_store %arg5[%swap3A_344, %swap3A_345], %swap3A_348 {strides = array<i32>} : memref<256x256xf32, #tpu.memory_space<vmem>>, vector<1x16xf32>,
      %mul3A_349 = arith.constant 8 : i32
      %mul3A_350 = arith.muli %scan3A_55, %mul3A_349 : i32
      %add3A_351 = arith.constant 7 : i32
      %add3A_352 = arith.addi %mul3A_350, %add3A_351 : i32
      %swap3A_353 = arith.index_cast %add3A_352 : i32 to index
      %swap3A_354 = arith.constant 48 : index
      %swap3A_355 = tpu.vector_load %arg5[%swap3A_353, %swap3A_354] {strides = array<i32>} : memref<256x256xf32, #tpu.memory_space<vmem>>, vector<1x16xf32>,
      %swap3A_356 = vector.shape_cast %swap3A_355 : vector<1x16xf32> to vector<16xf32>
      %swap3A_357 = vector.shape_cast %get3A_285 : vector<16xf32> to vector<1x16xf32>
      tpu.vector_store %arg5[%swap3A_353, %swap3A_354], %swap3A_357 {strides = array<i32>} : memref<256x256xf32, #tpu.memory_space<vmem>>, vector<1x16xf32>,
      %get3A_358 = arith.index_cast %scan3A_55 : i32 to index
      %get3A_359 = arith.constant 64 : index
      %get3A_360 = tpu.vector_load %arg4[%get3A_358, %get3A_359] {strides = array<i32>} : memref<32x256xf32, #tpu.memory_space<vmem>>, vector<1x16xf32>,
      %get3A_361 = vector.shape_cast %get3A_360 : vector<1x16xf32> to vector<16xf32>
      %mul3A_362 = arith.constant 8 : i32
      %mul3A_363 = arith.muli %scan3A_55, %mul3A_362 : i32
      %add3A_364 = arith.constant 0 : i32
      %add3A_365 = arith.addi %mul3A_363, %add3A_364 : i32
      %swap3A_366 = arith.index_cast %add3A_365 : i32 to index
      %swap3A_367 = arith.constant 64 : index
      %swap3A_368 = tpu.vector_load %arg5[%swap3A_366, %swap3A_367] {strides = array<i32>} : memref<256x256xf32, #tpu.memory_space<vmem>>, vector<1x16xf32>,
      %swap3A_369 = vector.shape_cast %swap3A_368 : vector<1x16xf32> to vector<16xf32>
      %swap3A_370 = vector.shape_cast %get3A_361 : vector<16xf32> to vector<1x16xf32>
      tpu.vector_store %arg5[%swap3A_366, %swap3A_367], %swap3A_370 {strides = array<i32>} : memref<256x256xf32, #tpu.memory_space<vmem>>, vector<1x16xf32>,
      %mul3A_371 = arith.constant 8 : i32
      %mul3A_372 = arith.muli %scan3A_55, %mul3A_371 : i32
      %add3A_373 = arith.constant 1 : i32
      %add3A_374 = arith.addi %mul3A_372, %add3A_373 : i32
      %swap3A_375 = arith.index_cast %add3A_374 : i32 to index
      %swap3A_376 = arith.constant 64 : index
      %swap3A_377 = tpu.vector_load %arg5[%swap3A_375, %swap3A_376] {strides = array<i32>} : memref<256x256xf32, #tpu.memory_space<vmem>>, vector<1x16xf32>,
      %swap3A_378 = vector.shape_cast %swap3A_377 : vector<1x16xf32> to vector<16xf32>
      %swap3A_379 = vector.shape_cast %get3A_361 : vector<16xf32> to vector<1x16xf32>
      tpu.vector_store %arg5[%swap3A_375, %swap3A_376], %swap3A_379 {strides = array<i32>} : memref<256x256xf32, #tpu.memory_space<vmem>>, vector<1x16xf32>,
      %mul3A_380 = arith.constant 8 : i32
      %mul3A_381 = arith.muli %scan3A_55, %mul3A_380 : i32
      %add3A_382 = arith.constant 2 : i32
      %add3A_383 = arith.addi %mul3A_381, %add3A_382 : i32
      %swap3A_384 = arith.index_cast %add3A_383 : i32 to index
      %swap3A_385 = arith.constant 64 : index
      %swap3A_386 = tpu.vector_load %arg5[%swap3A_384, %swap3A_385] {strides = array<i32>} : memref<256x256xf32, #tpu.memory_space<vmem>>, vector<1x16xf32>,
      %swap3A_387 = vector.shape_cast %swap3A_386 : vector<1x16xf32> to vector<16xf32>
      %swap3A_388 = vector.shape_cast %get3A_361 : vector<16xf32> to vector<1x16xf32>
      tpu.vector_store %arg5[%swap3A_384, %swap3A_385], %swap3A_388 {strides = array<i32>} : memref<256x256xf32, #tpu.memory_space<vmem>>, vector<1x16xf32>,
      %mul3A_389 = arith.constant 8 : i32
      %mul3A_390 = arith.muli %scan3A_55, %mul3A_389 : i32
      %add3A_391 = arith.constant 3 : i32
      %add3A_392 = arith.addi %mul3A_390, %add3A_391 : i32
      %swap3A_393 = arith.index_cast %add3A_392 : i32 to index
      %swap3A_394 = arith.constant 64 : index
      %swap3A_395 = tpu.vector_load %arg5[%swap3A_393, %swap3A_394] {strides = array<i32>} : memref<256x256xf32, #tpu.memory_space<vmem>>, vector<1x16xf32>,
      %swap3A_396 = vector.shape_cast %swap3A_395 : vector<1x16xf32> to vector<16xf32>
      %swap3A_397 = vector.shape_cast %get3A_361 : vector<16xf32> to vector<1x16xf32>
      tpu.vector_store %arg5[%swap3A_393, %swap3A_394], %swap3A_397 {strides = array<i32>} : memref<256x256xf32, #tpu.memory_space<vmem>>, vector<1x16xf32>,
      %mul3A_398 = arith.constant 8 : i32
      %mul3A_399 = arith.muli %scan3A_55, %mul3A_398 : i32
      %add3A_400 = arith.constant 4 : i32
      %add3A_401 = arith.addi %mul3A_399, %add3A_400 : i32
      %swap3A_402 = arith.index_cast %add3A_401 : i32 to index
      %swap3A_403 = arith.constant 64 : index
      %swap3A_404 = tpu.vector_load %arg5[%swap3A_402, %swap3A_403] {strides = array<i32>} : memref<256x256xf32, #tpu.memory_space<vmem>>, vector<1x16xf32>,
      %swap3A_405 = vector.shape_cast %swap3A_404 : vector<1x16xf32> to vector<16xf32>
      %swap3A_406 = vector.shape_cast %get3A_361 : vector<16xf32> to vector<1x16xf32>
      tpu.vector_store %arg5[%swap3A_402, %swap3A_403], %swap3A_406 {strides = array<i32>} : memref<256x256xf32, #tpu.memory_space<vmem>>, vector<1x16xf32>,
      %mul3A_407 = arith.constant 8 : i32
      %mul3A_408 = arith.muli %scan3A_55, %mul3A_407 : i32
      %add3A_409 = arith.constant 5 : i32
      %add3A_410 = arith.addi %mul3A_408, %add3A_409 : i32
      %swap3A_411 = arith.index_cast %add3A_410 : i32 to index
      %swap3A_412 = arith.constant 64 : index
      %swap3A_413 = tpu.vector_load %arg5[%swap3A_411, %swap3A_412] {strides = array<i32>} : memref<256x256xf32, #tpu.memory_space<vmem>>, vector<1x16xf32>,
      %swap3A_414 = vector.shape_cast %swap3A_413 : vector<1x16xf32> to vector<16xf32>
      %swap3A_415 = vector.shape_cast %get3A_361 : vector<16xf32> to vector<1x16xf32>
      tpu.vector_store %arg5[%swap3A_411, %swap3A_412], %swap3A_415 {strides = array<i32>} : memref<256x256xf32, #tpu.memory_space<vmem>>, vector<1x16xf32>,
      %mul3A_416 = arith.constant 8 : i32
      %mul3A_417 = arith.muli %scan3A_55, %mul3A_416 : i32
      %add3A_418 = arith.constant 6 : i32
      %add3A_419 = arith.addi %mul3A_417, %add3A_418 : i32
      %swap3A_420 = arith.index_cast %add3A_419 : i32 to index
      %swap3A_421 = arith.constant 64 : index
      %swap3A_422 = tpu.vector_load %arg5[%swap3A_420, %swap3A_421] {strides = array<i32>} : memref<256x256xf32, #tpu.memory_space<vmem>>, vector<1x16xf32>,
      %swap3A_423 = vector.shape_cast %swap3A_422 : vector<1x16xf32> to vector<16xf32>
      %swap3A_424 = vector.shape_cast %get3A_361 : vector<16xf32> to vector<1x16xf32>
      tpu.vector_store %arg5[%swap3A_420, %swap3A_421], %swap3A_424 {strides = array<i32>} : memref<256x256xf32, #tpu.memory_space<vmem>>, vector<1x16xf32>,
      %mul3A_425 = arith.constant 8 : i32
      %mul3A_426 = arith.muli %scan3A_55, %mul3A_425 : i32
      %add3A_427 = arith.constant 7 : i32
      %add3A_428 = arith.addi %mul3A_426, %add3A_427 : i32
      %swap3A_429 = arith.index_cast %add3A_428 : i32 to index
      %swap3A_430 = arith.constant 64 : index
      %swap3A_431 = tpu.vector_load %arg5[%swap3A_429, %swap3A_430] {strides = array<i32>} : memref<256x256xf32, #tpu.memory_space<vmem>>, vector<1x16xf32>,
      %swap3A_432 = vector.shape_cast %swap3A_431 : vector<1x16xf32> to vector<16xf32>
      %swap3A_433 = vector.shape_cast %get3A_361 : vector<16xf32> to vector<1x16xf32>
      tpu.vector_store %arg5[%swap3A_429, %swap3A_430], %swap3A_433 {strides = array<i32>} : memref<256x256xf32, #tpu.memory_space<vmem>>, vector<1x16xf32>,
      %get3A_434 = arith.index_cast %scan3A_55 : i32 to index
      %get3A_435 = arith.constant 80 : index
      %get3A_436 = tpu.vector_load %arg4[%get3A_434, %get3A_435] {strides = array<i32>} : memref<32x256xf32, #tpu.memory_space<vmem>>, vector<1x16xf32>,
      %get3A_437 = vector.shape_cast %get3A_436 : vector<1x16xf32> to vector<16xf32>
      %mul3A_438 = arith.constant 8 : i32
      %mul3A_439 = arith.muli %scan3A_55, %mul3A_438 : i32
      %add3A_440 = arith.constant 0 : i32
      %add3A_441 = arith.addi %mul3A_439, %add3A_440 : i32
      %swap3A_442 = arith.index_cast %add3A_441 : i32 to index
      %swap3A_443 = arith.constant 80 : index
      %swap3A_444 = tpu.vector_load %arg5[%swap3A_442, %swap3A_443] {strides = array<i32>} : memref<256x256xf32, #tpu.memory_space<vmem>>, vector<1x16xf32>,
      %swap3A_445 = vector.shape_cast %swap3A_444 : vector<1x16xf32> to vector<16xf32>
      %swap3A_446 = vector.shape_cast %get3A_437 : vector<16xf32> to vector<1x16xf32>
      tpu.vector_store %arg5[%swap3A_442, %swap3A_443], %swap3A_446 {strides = array<i32>} : memref<256x256xf32, #tpu.memory_space<vmem>>, vector<1x16xf32>,
      %mul3A_447 = arith.constant 8 : i32
      %mul3A_448 = arith.muli %scan3A_55, %mul3A_447 : i32
      %add3A_449 = arith.constant 1 : i32
      %add3A_450 = arith.addi %mul3A_448, %add3A_449 : i32
      %swap3A_451 = arith.index_cast %add3A_450 : i32 to index
      %swap3A_452 = arith.constant 80 : index
      %swap3A_453 = tpu.vector_load %arg5[%swap3A_451, %swap3A_452] {strides = array<i32>} : memref<256x256xf32, #tpu.memory_space<vmem>>, vector<1x16xf32>,
      %swap3A_454 = vector.shape_cast %swap3A_453 : vector<1x16xf32> to vector<16xf32>
      %swap3A_455 = vector.shape_cast %get3A_437 : vector<16xf32> to vector<1x16xf32>
      tpu.vector_store %arg5[%swap3A_451, %swap3A_452], %swap3A_455 {strides = array<i32>} : memref<256x256xf32, #tpu.memory_space<vmem>>, vector<1x16xf32>,
      %mul3A_456 = arith.constant 8 : i32
      %mul3A_457 = arith.muli %scan3A_55, %mul3A_456 : i32
      %add3A_458 = arith.constant 2 : i32
      %add3A_459 = arith.addi %mul3A_457, %add3A_458 : i32
      %swap3A_460 = arith.index_cast %add3A_459 : i32 to index
      %swap3A_461 = arith.constant 80 : index
      %swap3A_462 = tpu.vector_load %arg5[%swap3A_460, %swap3A_461] {strides = array<i32>} : memref<256x256xf32, #tpu.memory_space<vmem>>, vector<1x16xf32>,
      %swap3A_463 = vector.shape_cast %swap3A_462 : vector<1x16xf32> to vector<16xf32>
      %swap3A_464 = vector.shape_cast %get3A_437 : vector<16xf32> to vector<1x16xf32>
      tpu.vector_store %arg5[%swap3A_460, %swap3A_461], %swap3A_464 {strides = array<i32>} : memref<256x256xf32, #tpu.memory_space<vmem>>, vector<1x16xf32>,
      %mul3A_465 = arith.constant 8 : i32
      %mul3A_466 = arith.muli %scan3A_55, %mul3A_465 : i32
      %add3A_467 = arith.constant 3 : i32
      %add3A_468 = arith.addi %mul3A_466, %add3A_467 : i32
      %swap3A_469 = arith.index_cast %add3A_468 : i32 to index
      %swap3A_470 = arith.constant 80 : index
      %swap3A_471 = tpu.vector_load %arg5[%swap3A_469, %swap3A_470] {strides = array<i32>} : memref<256x256xf32, #tpu.memory_space<vmem>>, vector<1x16xf32>,
      %swap3A_472 = vector.shape_cast %swap3A_471 : vector<1x16xf32> to vector<16xf32>
      %swap3A_473 = vector.shape_cast %get3A_437 : vector<16xf32> to vector<1x16xf32>
      tpu.vector_store %arg5[%swap3A_469, %swap3A_470], %swap3A_473 {strides = array<i32>} : memref<256x256xf32, #tpu.memory_space<vmem>>, vector<1x16xf32>,
      %mul3A_474 = arith.constant 8 : i32
      %mul3A_475 = arith.muli %scan3A_55, %mul3A_474 : i32
      %add3A_476 = arith.constant 4 : i32
      %add3A_477 = arith.addi %mul3A_475, %add3A_476 : i32
      %swap3A_478 = arith.index_cast %add3A_477 : i32 to index
      %swap3A_479 = arith.constant 80 : index
      %swap3A_480 = tpu.vector_load %arg5[%swap3A_478, %swap3A_479] {strides = array<i32>} : memref<256x256xf32, #tpu.memory_space<vmem>>, vector<1x16xf32>,
      %swap3A_481 = vector.shape_cast %swap3A_480 : vector<1x16xf32> to vector<16xf32>
      %swap3A_482 = vector.shape_cast %get3A_437 : vector<16xf32> to vector<1x16xf32>
      tpu.vector_store %arg5[%swap3A_478, %swap3A_479], %swap3A_482 {strides = array<i32>} : memref<256x256xf32, #tpu.memory_space<vmem>>, vector<1x16xf32>,
      %mul3A_483 = arith.constant 8 : i32
      %mul3A_484 = arith.muli %scan3A_55, %mul3A_483 : i32
      %add3A_485 = arith.constant 5 : i32
      %add3A_486 = arith.addi %mul3A_484, %add3A_485 : i32
      %swap3A_487 = arith.index_cast %add3A_486 : i32 to index
      %swap3A_488 = arith.constant 80 : index
      %swap3A_489 = tpu.vector_load %arg5[%swap3A_487, %swap3A_488] {strides = array<i32>} : memref<256x256xf32, #tpu.memory_space<vmem>>, vector<1x16xf32>,
      %swap3A_490 = vector.shape_cast %swap3A_489 : vector<1x16xf32> to vector<16xf32>
      %swap3A_491 = vector.shape_cast %get3A_437 : vector<16xf32> to vector<1x16xf32>
      tpu.vector_store %arg5[%swap3A_487, %swap3A_488], %swap3A_491 {strides = array<i32>} : memref<256x256xf32, #tpu.memory_space<vmem>>, vector<1x16xf32>,
      %mul3A_492 = arith.constant 8 : i32
      %mul3A_493 = arith.muli %scan3A_55, %mul3A_492 : i32
      %add3A_494 = arith.constant 6 : i32
      %add3A_495 = arith.addi %mul3A_493, %add3A_494 : i32
      %swap3A_496 = arith.index_cast %add3A_495 : i32 to index
      %swap3A_497 = arith.constant 80 : index
      %swap3A_498 = tpu.vector_load %arg5[%swap3A_496, %swap3A_497] {strides = array<i32>} : memref<256x256xf32, #tpu.memory_space<vmem>>, vector<1x16xf32>,
      %swap3A_499 = vector.shape_cast %swap3A_498 : vector<1x16xf32> to vector<16xf32>
      %swap3A_500 = vector.shape_cast %get3A_437 : vector<16xf32> to vector<1x16xf32>
      tpu.vector_store %arg5[%swap3A_496, %swap3A_497], %swap3A_500 {strides = array<i32>} : memref<256x256xf32, #tpu.memory_space<vmem>>, vector<1x16xf32>,
      %mul3A_501 = arith.constant 8 : i32
      %mul3A_502 = arith.muli %scan3A_55, %mul3A_501 : i32
      %add3A_503 = arith.constant 7 : i32
      %add3A_504 = arith.addi %mul3A_502, %add3A_503 : i32
      %swap3A_505 = arith.index_cast %add3A_504 : i32 to index
      %swap3A_506 = arith.constant 80 : index
      %swap3A_507 = tpu.vector_load %arg5[%swap3A_505, %swap3A_506] {strides = array<i32>} : memref<256x256xf32, #tpu.memory_space<vmem>>, vector<1x16xf32>,
      %swap3A_508 = vector.shape_cast %swap3A_507 : vector<1x16xf32> to vector<16xf32>
      %swap3A_509 = vector.shape_cast %get3A_437 : vector<16xf32> to vector<1x16xf32>
      tpu.vector_store %arg5[%swap3A_505, %swap3A_506], %swap3A_509 {strides = array<i32>} : memref<256x256xf32, #tpu.memory_space<vmem>>, vector<1x16xf32>,
      %get3A_510 = arith.index_cast %scan3A_55 : i32 to index
      %get3A_511 = arith.constant 96 : index
      %get3A_512 = tpu.vector_load %arg4[%get3A_510, %get3A_511] {strides = array<i32>} : memref<32x256xf32, #tpu.memory_space<vmem>>, vector<1x16xf32>,
      %get3A_513 = vector.shape_cast %get3A_512 : vector<1x16xf32> to vector<16xf32>
      %mul3A_514 = arith.constant 8 : i32
      %mul3A_515 = arith.muli %scan3A_55, %mul3A_514 : i32
      %add3A_516 = arith.constant 0 : i32
      %add3A_517 = arith.addi %mul3A_515, %add3A_516 : i32
      %swap3A_518 = arith.index_cast %add3A_517 : i32 to index
      %swap3A_519 = arith.constant 96 : index
      %swap3A_520 = tpu.vector_load %arg5[%swap3A_518, %swap3A_519] {strides = array<i32>} : memref<256x256xf32, #tpu.memory_space<vmem>>, vector<1x16xf32>,
      %swap3A_521 = vector.shape_cast %swap3A_520 : vector<1x16xf32> to vector<16xf32>
      %swap3A_522 = vector.shape_cast %get3A_513 : vector<16xf32> to vector<1x16xf32>
      tpu.vector_store %arg5[%swap3A_518, %swap3A_519], %swap3A_522 {strides = array<i32>} : memref<256x256xf32, #tpu.memory_space<vmem>>, vector<1x16xf32>,
      %mul3A_523 = arith.constant 8 : i32
      %mul3A_524 = arith.muli %scan3A_55, %mul3A_523 : i32
      %add3A_525 = arith.constant 1 : i32
      %add3A_526 = arith.addi %mul3A_524, %add3A_525 : i32
      %swap3A_527 = arith.index_cast %add3A_526 : i32 to index
      %swap3A_528 = arith.constant 96 : index
      %swap3A_529 = tpu.vector_load %arg5[%swap3A_527, %swap3A_528] {strides = array<i32>} : memref<256x256xf32, #tpu.memory_space<vmem>>, vector<1x16xf32>,
      %swap3A_530 = vector.shape_cast %swap3A_529 : vector<1x16xf32> to vector<16xf32>
      %swap3A_531 = vector.shape_cast %get3A_513 : vector<16xf32> to vector<1x16xf32>
      tpu.vector_store %arg5[%swap3A_527, %swap3A_528], %swap3A_531 {strides = array<i32>} : memref<256x256xf32, #tpu.memory_space<vmem>>, vector<1x16xf32>,
      %mul3A_532 = arith.constant 8 : i32
      %mul3A_533 = arith.muli %scan3A_55, %mul3A_532 : i32
      %add3A_534 = arith.constant 2 : i32
      %add3A_535 = arith.addi %mul3A_533, %add3A_534 : i32
      %swap3A_536 = arith.index_cast %add3A_535 : i32 to index
      %swap3A_537 = arith.constant 96 : index
      %swap3A_538 = tpu.vector_load %arg5[%swap3A_536, %swap3A_537] {strides = array<i32>} : memref<256x256xf32, #tpu.memory_space<vmem>>, vector<1x16xf32>,
      %swap3A_539 = vector.shape_cast %swap3A_538 : vector<1x16xf32> to vector<16xf32>
      %swap3A_540 = vector.shape_cast %get3A_513 : vector<16xf32> to vector<1x16xf32>
      tpu.vector_store %arg5[%swap3A_536, %swap3A_537], %swap3A_540 {strides = array<i32>} : memref<256x256xf32, #tpu.memory_space<vmem>>, vector<1x16xf32>,
      %mul3A_541 = arith.constant 8 : i32
      %mul3A_542 = arith.muli %scan3A_55, %mul3A_541 : i32
      %add3A_543 = arith.constant 3 : i32
      %add3A_544 = arith.addi %mul3A_542, %add3A_543 : i32
      %swap3A_545 = arith.index_cast %add3A_544 : i32 to index
      %swap3A_546 = arith.constant 96 : index
      %swap3A_547 = tpu.vector_load %arg5[%swap3A_545, %swap3A_546] {strides = array<i32>} : memref<256x256xf32, #tpu.memory_space<vmem>>, vector<1x16xf32>,
      %swap3A_548 = vector.shape_cast %swap3A_547 : vector<1x16xf32> to vector<16xf32>
      %swap3A_549 = vector.shape_cast %get3A_513 : vector<16xf32> to vector<1x16xf32>
      tpu.vector_store %arg5[%swap3A_545, %swap3A_546], %swap3A_549 {strides = array<i32>} : memref<256x256xf32, #tpu.memory_space<vmem>>, vector<1x16xf32>,
      %mul3A_550 = arith.constant 8 : i32
      %mul3A_551 = arith.muli %scan3A_55, %mul3A_550 : i32
      %add3A_552 = arith.constant 4 : i32
      %add3A_553 = arith.addi %mul3A_551, %add3A_552 : i32
      %swap3A_554 = arith.index_cast %add3A_553 : i32 to index
      %swap3A_555 = arith.constant 96 : index
      %swap3A_556 = tpu.vector_load %arg5[%swap3A_554, %swap3A_555] {strides = array<i32>} : memref<256x256xf32, #tpu.memory_space<vmem>>, vector<1x16xf32>,
      %swap3A_557 = vector.shape_cast %swap3A_556 : vector<1x16xf32> to vector<16xf32>
      %swap3A_558 = vector.shape_cast %get3A_513 : vector<16xf32> to vector<1x16xf32>
      tpu.vector_store %arg5[%swap3A_554, %swap3A_555], %swap3A_558 {strides = array<i32>} : memref<256x256xf32, #tpu.memory_space<vmem>>, vector<1x16xf32>,
      %mul3A_559 = arith.constant 8 : i32
      %mul3A_560 = arith.muli %scan3A_55, %mul3A_559 : i32
      %add3A_561 = arith.constant 5 : i32
      %add3A_562 = arith.addi %mul3A_560, %add3A_561 : i32
      %swap3A_563 = arith.index_cast %add3A_562 : i32 to index
      %swap3A_564 = arith.constant 96 : index
      %swap3A_565 = tpu.vector_load %arg5[%swap3A_563, %swap3A_564] {strides = array<i32>} : memref<256x256xf32, #tpu.memory_space<vmem>>, vector<1x16xf32>,
      %swap3A_566 = vector.shape_cast %swap3A_565 : vector<1x16xf32> to vector<16xf32>
      %swap3A_567 = vector.shape_cast %get3A_513 : vector<16xf32> to vector<1x16xf32>
      tpu.vector_store %arg5[%swap3A_563, %swap3A_564], %swap3A_567 {strides = array<i32>} : memref<256x256xf32, #tpu.memory_space<vmem>>, vector<1x16xf32>,
      %mul3A_568 = arith.constant 8 : i32
      %mul3A_569 = arith.muli %scan3A_55, %mul3A_568 : i32
      %add3A_570 = arith.constant 6 : i32
      %add3A_571 = arith.addi %mul3A_569, %add3A_570 : i32
      %swap3A_572 = arith.index_cast %add3A_571 : i32 to index
      %swap3A_573 = arith.constant 96 : index
      %swap3A_574 = tpu.vector_load %arg5[%swap3A_572, %swap3A_573] {strides = array<i32>} : memref<256x256xf32, #tpu.memory_space<vmem>>, vector<1x16xf32>,
      %swap3A_575 = vector.shape_cast %swap3A_574 : vector<1x16xf32> to vector<16xf32>
      %swap3A_576 = vector.shape_cast %get3A_513 : vector<16xf32> to vector<1x16xf32>
      tpu.vector_store %arg5[%swap3A_572, %swap3A_573], %swap3A_576 {strides = array<i32>} : memref<256x256xf32, #tpu.memory_space<vmem>>, vector<1x16xf32>,
      %mul3A_577 = arith.constant 8 : i32
      %mul3A_578 = arith.muli %scan3A_55, %mul3A_577 : i32
      %add3A_579 = arith.constant 7 : i32
      %add3A_580 = arith.addi %mul3A_578, %add3A_579 : i32
      %swap3A_581 = arith.index_cast %add3A_580 : i32 to index
      %swap3A_582 = arith.constant 96 : index
      %swap3A_583 = tpu.vector_load %arg5[%swap3A_581, %swap3A_582] {strides = array<i32>} : memref<256x256xf32, #tpu.memory_space<vmem>>, vector<1x16xf32>,
      %swap3A_584 = vector.shape_cast %swap3A_583 : vector<1x16xf32> to vector<16xf32>
      %swap3A_585 = vector.shape_cast %get3A_513 : vector<16xf32> to vector<1x16xf32>
      tpu.vector_store %arg5[%swap3A_581, %swap3A_582], %swap3A_585 {strides = array<i32>} : memref<256x256xf32, #tpu.memory_space<vmem>>, vector<1x16xf32>,
      %get3A_586 = arith.index_cast %scan3A_55 : i32 to index
      %get3A_587 = arith.constant 112 : index
      %get3A_588 = tpu.vector_load %arg4[%get3A_586, %get3A_587] {strides = array<i32>} : memref<32x256xf32, #tpu.memory_space<vmem>>, vector<1x16xf32>,
      %get3A_589 = vector.shape_cast %get3A_588 : vector<1x16xf32> to vector<16xf32>
      %mul3A_590 = arith.constant 8 : i32
      %mul3A_591 = arith.muli %scan3A_55, %mul3A_590 : i32
      %add3A_592 = arith.constant 0 : i32
      %add3A_593 = arith.addi %mul3A_591, %add3A_592 : i32
      %swap3A_594 = arith.index_cast %add3A_593 : i32 to index
      %swap3A_595 = arith.constant 112 : index
      %swap3A_596 = tpu.vector_load %arg5[%swap3A_594, %swap3A_595] {strides = array<i32>} : memref<256x256xf32, #tpu.memory_space<vmem>>, vector<1x16xf32>,
      %swap3A_597 = vector.shape_cast %swap3A_596 : vector<1x16xf32> to vector<16xf32>
      %swap3A_598 = vector.shape_cast %get3A_589 : vector<16xf32> to vector<1x16xf32>
      tpu.vector_store %arg5[%swap3A_594, %swap3A_595], %swap3A_598 {strides = array<i32>} : memref<256x256xf32, #tpu.memory_space<vmem>>, vector<1x16xf32>,
      %mul3A_599 = arith.constant 8 : i32
      %mul3A_600 = arith.muli %scan3A_55, %mul3A_599 : i32
      %add3A_601 = arith.constant 1 : i32
      %add3A_602 = arith.addi %mul3A_600, %add3A_601 : i32
      %swap3A_603 = arith.index_cast %add3A_602 : i32 to index
      %swap3A_604 = arith.constant 112 : index
      %swap3A_605 = tpu.vector_load %arg5[%swap3A_603, %swap3A_604] {strides = array<i32>} : memref<256x256xf32, #tpu.memory_space<vmem>>, vector<1x16xf32>,
      %swap3A_606 = vector.shape_cast %swap3A_605 : vector<1x16xf32> to vector<16xf32>
      %swap3A_607 = vector.shape_cast %get3A_589 : vector<16xf32> to vector<1x16xf32>
      tpu.vector_store %arg5[%swap3A_603, %swap3A_604], %swap3A_607 {strides = array<i32>} : memref<256x256xf32, #tpu.memory_space<vmem>>, vector<1x16xf32>,
      %mul3A_608 = arith.constant 8 : i32
      %mul3A_609 = arith.muli %scan3A_55, %mul3A_608 : i32
      %add3A_610 = arith.constant 2 : i32
      %add3A_611 = arith.addi %mul3A_609, %add3A_610 : i32
      %swap3A_612 = arith.index_cast %add3A_611 : i32 to index
      %swap3A_613 = arith.constant 112 : index
      %swap3A_614 = tpu.vector_load %arg5[%swap3A_612, %swap3A_613] {strides = array<i32>} : memref<256x256xf32, #tpu.memory_space<vmem>>, vector<1x16xf32>,
      %swap3A_615 = vector.shape_cast %swap3A_614 : vector<1x16xf32> to vector<16xf32>
      %swap3A_616 = vector.shape_cast %get3A_589 : vector<16xf32> to vector<1x16xf32>
      tpu.vector_store %arg5[%swap3A_612, %swap3A_613], %swap3A_616 {strides = array<i32>} : memref<256x256xf32, #tpu.memory_space<vmem>>, vector<1x16xf32>,
      %mul3A_617 = arith.constant 8 : i32
      %mul3A_618 = arith.muli %scan3A_55, %mul3A_617 : i32
      %add3A_619 = arith.constant 3 : i32
      %add3A_620 = arith.addi %mul3A_618, %add3A_619 : i32
      %swap3A_621 = arith.index_cast %add3A_620 : i32 to index
      %swap3A_622 = arith.constant 112 : index
      %swap3A_623 = tpu.vector_load %arg5[%swap3A_621, %swap3A_622] {strides = array<i32>} : memref<256x256xf32, #tpu.memory_space<vmem>>, vector<1x16xf32>,
      %swap3A_624 = vector.shape_cast %swap3A_623 : vector<1x16xf32> to vector<16xf32>
      %swap3A_625 = vector.shape_cast %get3A_589 : vector<16xf32> to vector<1x16xf32>
      tpu.vector_store %arg5[%swap3A_621, %swap3A_622], %swap3A_625 {strides = array<i32>} : memref<256x256xf32, #tpu.memory_space<vmem>>, vector<1x16xf32>,
      %mul3A_626 = arith.constant 8 : i32
      %mul3A_627 = arith.muli %scan3A_55, %mul3A_626 : i32
      %add3A_628 = arith.constant 4 : i32
      %add3A_629 = arith.addi %mul3A_627, %add3A_628 : i32
      %swap3A_630 = arith.index_cast %add3A_629 : i32 to index
      %swap3A_631 = arith.constant 112 : index
      %swap3A_632 = tpu.vector_load %arg5[%swap3A_630, %swap3A_631] {strides = array<i32>} : memref<256x256xf32, #tpu.memory_space<vmem>>, vector<1x16xf32>,
      %swap3A_633 = vector.shape_cast %swap3A_632 : vector<1x16xf32> to vector<16xf32>
      %swap3A_634 = vector.shape_cast %get3A_589 : vector<16xf32> to vector<1x16xf32>
      tpu.vector_store %arg5[%swap3A_630, %swap3A_631], %swap3A_634 {strides = array<i32>} : memref<256x256xf32, #tpu.memory_space<vmem>>, vector<1x16xf32>,
      %mul3A_635 = arith.constant 8 : i32
      %mul3A_636 = arith.muli %scan3A_55, %mul3A_635 : i32
      %add3A_637 = arith.constant 5 : i32
      %add3A_638 = arith.addi %mul3A_636, %add3A_637 : i32
      %swap3A_639 = arith.index_cast %add3A_638 : i32 to index
      %swap3A_640 = arith.constant 112 : index
      %swap3A_641 = tpu.vector_load %arg5[%swap3A_639, %swap3A_640] {strides = array<i32>} : memref<256x256xf32, #tpu.memory_space<vmem>>, vector<1x16xf32>,
      %swap3A_642 = vector.shape_cast %swap3A_641 : vector<1x16xf32> to vector<16xf32>
      %swap3A_643 = vector.shape_cast %get3A_589 : vector<16xf32> to vector<1x16xf32>
      tpu.vector_store %arg5[%swap3A_639, %swap3A_640], %swap3A_643 {strides = array<i32>} : memref<256x256xf32, #tpu.memory_space<vmem>>, vector<1x16xf32>,
      %mul3A_644 = arith.constant 8 : i32
      %mul3A_645 = arith.muli %scan3A_55, %mul3A_644 : i32
      %add3A_646 = arith.constant 6 : i32
      %add3A_647 = arith.addi %mul3A_645, %add3A_646 : i32
      %swap3A_648 = arith.index_cast %add3A_647 : i32 to index
      %swap3A_649 = arith.constant 112 : index
      %swap3A_650 = tpu.vector_load %arg5[%swap3A_648, %swap3A_649] {strides = array<i32>} : memref<256x256xf32, #tpu.memory_space<vmem>>, vector<1x16xf32>,
      %swap3A_651 = vector.shape_cast %swap3A_650 : vector<1x16xf32> to vector<16xf32>
      %swap3A_652 = vector.shape_cast %get3A_589 : vector<16xf32> to vector<1x16xf32>
      tpu.vector_store %arg5[%swap3A_648, %swap3A_649], %swap3A_652 {strides = array<i32>} : memref<256x256xf32, #tpu.memory_space<vmem>>, vector<1x16xf32>,
      %mul3A_653 = arith.constant 8 : i32
      %mul3A_654 = arith.muli %scan3A_55, %mul3A_653 : i32
      %add3A_655 = arith.constant 7 : i32
      %add3A_656 = arith.addi %mul3A_654, %add3A_655 : i32
      %swap3A_657 = arith.index_cast %add3A_656 : i32 to index
      %swap3A_658 = arith.constant 112 : index
      %swap3A_659 = tpu.vector_load %arg5[%swap3A_657, %swap3A_658] {strides = array<i32>} : memref<256x256xf32, #tpu.memory_space<vmem>>, vector<1x16xf32>,
      %swap3A_660 = vector.shape_cast %swap3A_659 : vector<1x16xf32> to vector<16xf32>
      %swap3A_661 = vector.shape_cast %get3A_589 : vector<16xf32> to vector<1x16xf32>
      tpu.vector_store %arg5[%swap3A_657, %swap3A_658], %swap3A_661 {strides = array<i32>} : memref<256x256xf32, #tpu.memory_space<vmem>>, vector<1x16xf32>,
      %get3A_662 = arith.index_cast %scan3A_55 : i32 to index
      %get3A_663 = arith.constant 128 : index
      %get3A_664 = tpu.vector_load %arg4[%get3A_662, %get3A_663] {strides = array<i32>} : memref<32x256xf32, #tpu.memory_space<vmem>>, vector<1x16xf32>,
      %get3A_665 = vector.shape_cast %get3A_664 : vector<1x16xf32> to vector<16xf32>
      %mul3A_666 = arith.constant 8 : i32
      %mul3A_667 = arith.muli %scan3A_55, %mul3A_666 : i32
      %add3A_668 = arith.constant 0 : i32
      %add3A_669 = arith.addi %mul3A_667, %add3A_668 : i32
      %swap3A_670 = arith.index_cast %add3A_669 : i32 to index
      %swap3A_671 = arith.constant 128 : index
      %swap3A_672 = tpu.vector_load %arg5[%swap3A_670, %swap3A_671] {strides = array<i32>} : memref<256x256xf32, #tpu.memory_space<vmem>>, vector<1x16xf32>,
      %swap3A_673 = vector.shape_cast %swap3A_672 : vector<1x16xf32> to vector<16xf32>
      %swap3A_674 = vector.shape_cast %get3A_665 : vector<16xf32> to vector<1x16xf32>
      tpu.vector_store %arg5[%swap3A_670, %swap3A_671], %swap3A_674 {strides = array<i32>} : memref<256x256xf32, #tpu.memory_space<vmem>>, vector<1x16xf32>,
      %mul3A_675 = arith.constant 8 : i32
      %mul3A_676 = arith.muli %scan3A_55, %mul3A_675 : i32
      %add3A_677 = arith.constant 1 : i32
      %add3A_678 = arith.addi %mul3A_676, %add3A_677 : i32
      %swap3A_679 = arith.index_cast %add3A_678 : i32 to index
      %swap3A_680 = arith.constant 128 : index
      %swap3A_681 = tpu.vector_load %arg5[%swap3A_679, %swap3A_680] {strides = array<i32>} : memref<256x256xf32, #tpu.memory_space<vmem>>, vector<1x16xf32>,
      %swap3A_682 = vector.shape_cast %swap3A_681 : vector<1x16xf32> to vector<16xf32>
      %swap3A_683 = vector.shape_cast %get3A_665 : vector<16xf32> to vector<1x16xf32>
      tpu.vector_store %arg5[%swap3A_679, %swap3A_680], %swap3A_683 {strides = array<i32>} : memref<256x256xf32, #tpu.memory_space<vmem>>, vector<1x16xf32>,
      %mul3A_684 = arith.constant 8 : i32
      %mul3A_685 = arith.muli %scan3A_55, %mul3A_684 : i32
      %add3A_686 = arith.constant 2 : i32
      %add3A_687 = arith.addi %mul3A_685, %add3A_686 : i32
      %swap3A_688 = arith.index_cast %add3A_687 : i32 to index
      %swap3A_689 = arith.constant 128 : index
      %swap3A_690 = tpu.vector_load %arg5[%swap3A_688, %swap3A_689] {strides = array<i32>} : memref<256x256xf32, #tpu.memory_space<vmem>>, vector<1x16xf32>,
      %swap3A_691 = vector.shape_cast %swap3A_690 : vector<1x16xf32> to vector<16xf32>
      %swap3A_692 = vector.shape_cast %get3A_665 : vector<16xf32> to vector<1x16xf32>
      tpu.vector_store %arg5[%swap3A_688, %swap3A_689], %swap3A_692 {strides = array<i32>} : memref<256x256xf32, #tpu.memory_space<vmem>>, vector<1x16xf32>,
      %mul3A_693 = arith.constant 8 : i32
      %mul3A_694 = arith.muli %scan3A_55, %mul3A_693 : i32
      %add3A_695 = arith.constant 3 : i32
      %add3A_696 = arith.addi %mul3A_694, %add3A_695 : i32
      %swap3A_697 = arith.index_cast %add3A_696 : i32 to index
      %swap3A_698 = arith.constant 128 : index
      %swap3A_699 = tpu.vector_load %arg5[%swap3A_697, %swap3A_698] {strides = array<i32>} : memref<256x256xf32, #tpu.memory_space<vmem>>, vector<1x16xf32>,
      %swap3A_700 = vector.shape_cast %swap3A_699 : vector<1x16xf32> to vector<16xf32>
      %swap3A_701 = vector.shape_cast %get3A_665 : vector<16xf32> to vector<1x16xf32>
      tpu.vector_store %arg5[%swap3A_697, %swap3A_698], %swap3A_701 {strides = array<i32>} : memref<256x256xf32, #tpu.memory_space<vmem>>, vector<1x16xf32>,
      %mul3A_702 = arith.constant 8 : i32
      %mul3A_703 = arith.muli %scan3A_55, %mul3A_702 : i32
      %add3A_704 = arith.constant 4 : i32
      %add3A_705 = arith.addi %mul3A_703, %add3A_704 : i32
      %swap3A_706 = arith.index_cast %add3A_705 : i32 to index
      %swap3A_707 = arith.constant 128 : index
      %swap3A_708 = tpu.vector_load %arg5[%swap3A_706, %swap3A_707] {strides = array<i32>} : memref<256x256xf32, #tpu.memory_space<vmem>>, vector<1x16xf32>,
      %swap3A_709 = vector.shape_cast %swap3A_708 : vector<1x16xf32> to vector<16xf32>
      %swap3A_710 = vector.shape_cast %get3A_665 : vector<16xf32> to vector<1x16xf32>
      tpu.vector_store %arg5[%swap3A_706, %swap3A_707], %swap3A_710 {strides = array<i32>} : memref<256x256xf32, #tpu.memory_space<vmem>>, vector<1x16xf32>,
      %mul3A_711 = arith.constant 8 : i32
      %mul3A_712 = arith.muli %scan3A_55, %mul3A_711 : i32
      %add3A_713 = arith.constant 5 : i32
      %add3A_714 = arith.addi %mul3A_712, %add3A_713 : i32
      %swap3A_715 = arith.index_cast %add3A_714 : i32 to index
      %swap3A_716 = arith.constant 128 : index
      %swap3A_717 = tpu.vector_load %arg5[%swap3A_715, %swap3A_716] {strides = array<i32>} : memref<256x256xf32, #tpu.memory_space<vmem>>, vector<1x16xf32>,
      %swap3A_718 = vector.shape_cast %swap3A_717 : vector<1x16xf32> to vector<16xf32>
      %swap3A_719 = vector.shape_cast %get3A_665 : vector<16xf32> to vector<1x16xf32>
      tpu.vector_store %arg5[%swap3A_715, %swap3A_716], %swap3A_719 {strides = array<i32>} : memref<256x256xf32, #tpu.memory_space<vmem>>, vector<1x16xf32>,
      %mul3A_720 = arith.constant 8 : i32
      %mul3A_721 = arith.muli %scan3A_55, %mul3A_720 : i32
      %add3A_722 = arith.constant 6 : i32
      %add3A_723 = arith.addi %mul3A_721, %add3A_722 : i32
      %swap3A_724 = arith.index_cast %add3A_723 : i32 to index
      %swap3A_725 = arith.constant 128 : index
      %swap3A_726 = tpu.vector_load %arg5[%swap3A_724, %swap3A_725] {strides = array<i32>} : memref<256x256xf32, #tpu.memory_space<vmem>>, vector<1x16xf32>,
      %swap3A_727 = vector.shape_cast %swap3A_726 : vector<1x16xf32> to vector<16xf32>
      %swap3A_728 = vector.shape_cast %get3A_665 : vector<16xf32> to vector<1x16xf32>
      tpu.vector_store %arg5[%swap3A_724, %swap3A_725], %swap3A_728 {strides = array<i32>} : memref<256x256xf32, #tpu.memory_space<vmem>>, vector<1x16xf32>,
      %mul3A_729 = arith.constant 8 : i32
      %mul3A_730 = arith.muli %scan3A_55, %mul3A_729 : i32
      %add3A_731 = arith.constant 7 : i32
      %add3A_732 = arith.addi %mul3A_730, %add3A_731 : i32
      %swap3A_733 = arith.index_cast %add3A_732 : i32 to index
      %swap3A_734 = arith.constant 128 : index
      %swap3A_735 = tpu.vector_load %arg5[%swap3A_733, %swap3A_734] {strides = array<i32>} : memref<256x256xf32, #tpu.memory_space<vmem>>, vector<1x16xf32>,
      %swap3A_736 = vector.shape_cast %swap3A_735 : vector<1x16xf32> to vector<16xf32>
      %swap3A_737 = vector.shape_cast %get3A_665 : vector<16xf32> to vector<1x16xf32>
      tpu.vector_store %arg5[%swap3A_733, %swap3A_734], %swap3A_737 {strides = array<i32>} : memref<256x256xf32, #tpu.memory_space<vmem>>, vector<1x16xf32>,
      %get3A_738 = arith.index_cast %scan3A_55 : i32 to index
      %get3A_739 = arith.constant 144 : index
      %get3A_740 = tpu.vector_load %arg4[%get3A_738, %get3A_739] {strides = array<i32>} : memref<32x256xf32, #tpu.memory_space<vmem>>, vector<1x16xf32>,
      %get3A_741 = vector.shape_cast %get3A_740 : vector<1x16xf32> to vector<16xf32>
      %mul3A_742 = arith.constant 8 : i32
      %mul3A_743 = arith.muli %scan3A_55, %mul3A_742 : i32
      %add3A_744 = arith.constant 0 : i32
      %add3A_745 = arith.addi %mul3A_743, %add3A_744 : i32
      %swap3A_746 = arith.index_cast %add3A_745 : i32 to index
      %swap3A_747 = arith.constant 144 : index
      %swap3A_748 = tpu.vector_load %arg5[%swap3A_746, %swap3A_747] {strides = array<i32>} : memref<256x256xf32, #tpu.memory_space<vmem>>, vector<1x16xf32>,
      %swap3A_749 = vector.shape_cast %swap3A_748 : vector<1x16xf32> to vector<16xf32>
      %swap3A_750 = vector.shape_cast %get3A_741 : vector<16xf32> to vector<1x16xf32>
      tpu.vector_store %arg5[%swap3A_746, %swap3A_747], %swap3A_750 {strides = array<i32>} : memref<256x256xf32, #tpu.memory_space<vmem>>, vector<1x16xf32>,
      %mul3A_751 = arith.constant 8 : i32
      %mul3A_752 = arith.muli %scan3A_55, %mul3A_751 : i32
      %add3A_753 = arith.constant 1 : i32
      %add3A_754 = arith.addi %mul3A_752, %add3A_753 : i32
      %swap3A_755 = arith.index_cast %add3A_754 : i32 to index
      %swap3A_756 = arith.constant 144 : index
      %swap3A_757 = tpu.vector_load %arg5[%swap3A_755, %swap3A_756] {strides = array<i32>} : memref<256x256xf32, #tpu.memory_space<vmem>>, vector<1x16xf32>,
      %swap3A_758 = vector.shape_cast %swap3A_757 : vector<1x16xf32> to vector<16xf32>
      %swap3A_759 = vector.shape_cast %get3A_741 : vector<16xf32> to vector<1x16xf32>
      tpu.vector_store %arg5[%swap3A_755, %swap3A_756], %swap3A_759 {strides = array<i32>} : memref<256x256xf32, #tpu.memory_space<vmem>>, vector<1x16xf32>,
      %mul3A_760 = arith.constant 8 : i32
      %mul3A_761 = arith.muli %scan3A_55, %mul3A_760 : i32
      %add3A_762 = arith.constant 2 : i32
      %add3A_763 = arith.addi %mul3A_761, %add3A_762 : i32
      %swap3A_764 = arith.index_cast %add3A_763 : i32 to index
      %swap3A_765 = arith.constant 144 : index
      %swap3A_766 = tpu.vector_load %arg5[%swap3A_764, %swap3A_765] {strides = array<i32>} : memref<256x256xf32, #tpu.memory_space<vmem>>, vector<1x16xf32>,
      %swap3A_767 = vector.shape_cast %swap3A_766 : vector<1x16xf32> to vector<16xf32>
      %swap3A_768 = vector.shape_cast %get3A_741 : vector<16xf32> to vector<1x16xf32>
      tpu.vector_store %arg5[%swap3A_764, %swap3A_765], %swap3A_768 {strides = array<i32>} : memref<256x256xf32, #tpu.memory_space<vmem>>, vector<1x16xf32>,
      %mul3A_769 = arith.constant 8 : i32
      %mul3A_770 = arith.muli %scan3A_55, %mul3A_769 : i32
      %add3A_771 = arith.constant 3 : i32
      %add3A_772 = arith.addi %mul3A_770, %add3A_771 : i32
      %swap3A_773 = arith.index_cast %add3A_772 : i32 to index
      %swap3A_774 = arith.constant 144 : index
      %swap3A_775 = tpu.vector_load %arg5[%swap3A_773, %swap3A_774] {strides = array<i32>} : memref<256x256xf32, #tpu.memory_space<vmem>>, vector<1x16xf32>,
      %swap3A_776 = vector.shape_cast %swap3A_775 : vector<1x16xf32> to vector<16xf32>
      %swap3A_777 = vector.shape_cast %get3A_741 : vector<16xf32> to vector<1x16xf32>
      tpu.vector_store %arg5[%swap3A_773, %swap3A_774], %swap3A_777 {strides = array<i32>} : memref<256x256xf32, #tpu.memory_space<vmem>>, vector<1x16xf32>,
      %mul3A_778 = arith.constant 8 : i32
      %mul3A_779 = arith.muli %scan3A_55, %mul3A_778 : i32
      %add3A_780 = arith.constant 4 : i32
      %add3A_781 = arith.addi %mul3A_779, %add3A_780 : i32
      %swap3A_782 = arith.index_cast %add3A_781 : i32 to index
      %swap3A_783 = arith.constant 144 : index
      %swap3A_784 = tpu.vector_load %arg5[%swap3A_782, %swap3A_783] {strides = array<i32>} : memref<256x256xf32, #tpu.memory_space<vmem>>, vector<1x16xf32>,
      %swap3A_785 = vector.shape_cast %swap3A_784 : vector<1x16xf32> to vector<16xf32>
      %swap3A_786 = vector.shape_cast %get3A_741 : vector<16xf32> to vector<1x16xf32>
      tpu.vector_store %arg5[%swap3A_782, %swap3A_783], %swap3A_786 {strides = array<i32>} : memref<256x256xf32, #tpu.memory_space<vmem>>, vector<1x16xf32>,
      %mul3A_787 = arith.constant 8 : i32
      %mul3A_788 = arith.muli %scan3A_55, %mul3A_787 : i32
      %add3A_789 = arith.constant 5 : i32
      %add3A_790 = arith.addi %mul3A_788, %add3A_789 : i32
      %swap3A_791 = arith.index_cast %add3A_790 : i32 to index
      %swap3A_792 = arith.constant 144 : index
      %swap3A_793 = tpu.vector_load %arg5[%swap3A_791, %swap3A_792] {strides = array<i32>} : memref<256x256xf32, #tpu.memory_space<vmem>>, vector<1x16xf32>,
      %swap3A_794 = vector.shape_cast %swap3A_793 : vector<1x16xf32> to vector<16xf32>
      %swap3A_795 = vector.shape_cast %get3A_741 : vector<16xf32> to vector<1x16xf32>
      tpu.vector_store %arg5[%swap3A_791, %swap3A_792], %swap3A_795 {strides = array<i32>} : memref<256x256xf32, #tpu.memory_space<vmem>>, vector<1x16xf32>,
      %mul3A_796 = arith.constant 8 : i32
      %mul3A_797 = arith.muli %scan3A_55, %mul3A_796 : i32
      %add3A_798 = arith.constant 6 : i32
      %add3A_799 = arith.addi %mul3A_797, %add3A_798 : i32
      %swap3A_800 = arith.index_cast %add3A_799 : i32 to index
      %swap3A_801 = arith.constant 144 : index
      %swap3A_802 = tpu.vector_load %arg5[%swap3A_800, %swap3A_801] {strides = array<i32>} : memref<256x256xf32, #tpu.memory_space<vmem>>, vector<1x16xf32>,
      %swap3A_803 = vector.shape_cast %swap3A_802 : vector<1x16xf32> to vector<16xf32>
      %swap3A_804 = vector.shape_cast %get3A_741 : vector<16xf32> to vector<1x16xf32>
      tpu.vector_store %arg5[%swap3A_800, %swap3A_801], %swap3A_804 {strides = array<i32>} : memref<256x256xf32, #tpu.memory_space<vmem>>, vector<1x16xf32>,
      %mul3A_805 = arith.constant 8 : i32
      %mul3A_806 = arith.muli %scan3A_55, %mul3A_805 : i32
      %add3A_807 = arith.constant 7 : i32
      %add3A_808 = arith.addi %mul3A_806, %add3A_807 : i32
      %swap3A_809 = arith.index_cast %add3A_808 : i32 to index
      %swap3A_810 = arith.constant 144 : index
      %swap3A_811 = tpu.vector_load %arg5[%swap3A_809, %swap3A_810] {strides = array<i32>} : memref<256x256xf32, #tpu.memory_space<vmem>>, vector<1x16xf32>,
      %swap3A_812 = vector.shape_cast %swap3A_811 : vector<1x16xf32> to vector<16xf32>
      %swap3A_813 = vector.shape_cast %get3A_741 : vector<16xf32> to vector<1x16xf32>
      tpu.vector_store %arg5[%swap3A_809, %swap3A_810], %swap3A_813 {strides = array<i32>} : memref<256x256xf32, #tpu.memory_space<vmem>>, vector<1x16xf32>,
      %get3A_814 = arith.index_cast %scan3A_55 : i32 to index
      %get3A_815 = arith.constant 160 : index
      %get3A_816 = tpu.vector_load %arg4[%get3A_814, %get3A_815] {strides = array<i32>} : memref<32x256xf32, #tpu.memory_space<vmem>>, vector<1x16xf32>,
      %get3A_817 = vector.shape_cast %get3A_816 : vector<1x16xf32> to vector<16xf32>
      %mul3A_818 = arith.constant 8 : i32
      %mul3A_819 = arith.muli %scan3A_55, %mul3A_818 : i32
      %add3A_820 = arith.constant 0 : i32
      %add3A_821 = arith.addi %mul3A_819, %add3A_820 : i32
      %swap3A_822 = arith.index_cast %add3A_821 : i32 to index
      %swap3A_823 = arith.constant 160 : index
      %swap3A_824 = tpu.vector_load %arg5[%swap3A_822, %swap3A_823] {strides = array<i32>} : memref<256x256xf32, #tpu.memory_space<vmem>>, vector<1x16xf32>,
      %swap3A_825 = vector.shape_cast %swap3A_824 : vector<1x16xf32> to vector<16xf32>
      %swap3A_826 = vector.shape_cast %get3A_817 : vector<16xf32> to vector<1x16xf32>
      tpu.vector_store %arg5[%swap3A_822, %swap3A_823], %swap3A_826 {strides = array<i32>} : memref<256x256xf32, #tpu.memory_space<vmem>>, vector<1x16xf32>,
      %mul3A_827 = arith.constant 8 : i32
      %mul3A_828 = arith.muli %scan3A_55, %mul3A_827 : i32
      %add3A_829 = arith.constant 1 : i32
      %add3A_830 = arith.addi %mul3A_828, %add3A_829 : i32
      %swap3A_831 = arith.index_cast %add3A_830 : i32 to index
      %swap3A_832 = arith.constant 160 : index
      %swap3A_833 = tpu.vector_load %arg5[%swap3A_831, %swap3A_832] {strides = array<i32>} : memref<256x256xf32, #tpu.memory_space<vmem>>, vector<1x16xf32>,
      %swap3A_834 = vector.shape_cast %swap3A_833 : vector<1x16xf32> to vector<16xf32>
      %swap3A_835 = vector.shape_cast %get3A_817 : vector<16xf32> to vector<1x16xf32>
      tpu.vector_store %arg5[%swap3A_831, %swap3A_832], %swap3A_835 {strides = array<i32>} : memref<256x256xf32, #tpu.memory_space<vmem>>, vector<1x16xf32>,
      %mul3A_836 = arith.constant 8 : i32
      %mul3A_837 = arith.muli %scan3A_55, %mul3A_836 : i32
      %add3A_838 = arith.constant 2 : i32
      %add3A_839 = arith.addi %mul3A_837, %add3A_838 : i32
      %swap3A_840 = arith.index_cast %add3A_839 : i32 to index
      %swap3A_841 = arith.constant 160 : index
      %swap3A_842 = tpu.vector_load %arg5[%swap3A_840, %swap3A_841] {strides = array<i32>} : memref<256x256xf32, #tpu.memory_space<vmem>>, vector<1x16xf32>,
      %swap3A_843 = vector.shape_cast %swap3A_842 : vector<1x16xf32> to vector<16xf32>
      %swap3A_844 = vector.shape_cast %get3A_817 : vector<16xf32> to vector<1x16xf32>
      tpu.vector_store %arg5[%swap3A_840, %swap3A_841], %swap3A_844 {strides = array<i32>} : memref<256x256xf32, #tpu.memory_space<vmem>>, vector<1x16xf32>,
      %mul3A_845 = arith.constant 8 : i32
      %mul3A_846 = arith.muli %scan3A_55, %mul3A_845 : i32
      %add3A_847 = arith.constant 3 : i32
      %add3A_848 = arith.addi %mul3A_846, %add3A_847 : i32
      %swap3A_849 = arith.index_cast %add3A_848 : i32 to index
      %swap3A_850 = arith.constant 160 : index
      %swap3A_851 = tpu.vector_load %arg5[%swap3A_849, %swap3A_850] {strides = array<i32>} : memref<256x256xf32, #tpu.memory_space<vmem>>, vector<1x16xf32>,
      %swap3A_852 = vector.shape_cast %swap3A_851 : vector<1x16xf32> to vector<16xf32>
      %swap3A_853 = vector.shape_cast %get3A_817 : vector<16xf32> to vector<1x16xf32>
      tpu.vector_store %arg5[%swap3A_849, %swap3A_850], %swap3A_853 {strides = array<i32>} : memref<256x256xf32, #tpu.memory_space<vmem>>, vector<1x16xf32>,
      %mul3A_854 = arith.constant 8 : i32
      %mul3A_855 = arith.muli %scan3A_55, %mul3A_854 : i32
      %add3A_856 = arith.constant 4 : i32
      %add3A_857 = arith.addi %mul3A_855, %add3A_856 : i32
      %swap3A_858 = arith.index_cast %add3A_857 : i32 to index
      %swap3A_859 = arith.constant 160 : index
      %swap3A_860 = tpu.vector_load %arg5[%swap3A_858, %swap3A_859] {strides = array<i32>} : memref<256x256xf32, #tpu.memory_space<vmem>>, vector<1x16xf32>,
      %swap3A_861 = vector.shape_cast %swap3A_860 : vector<1x16xf32> to vector<16xf32>
      %swap3A_862 = vector.shape_cast %get3A_817 : vector<16xf32> to vector<1x16xf32>
      tpu.vector_store %arg5[%swap3A_858, %swap3A_859], %swap3A_862 {strides = array<i32>} : memref<256x256xf32, #tpu.memory_space<vmem>>, vector<1x16xf32>,
      %mul3A_863 = arith.constant 8 : i32
      %mul3A_864 = arith.muli %scan3A_55, %mul3A_863 : i32
      %add3A_865 = arith.constant 5 : i32
      %add3A_866 = arith.addi %mul3A_864, %add3A_865 : i32
      %swap3A_867 = arith.index_cast %add3A_866 : i32 to index
      %swap3A_868 = arith.constant 160 : index
      %swap3A_869 = tpu.vector_load %arg5[%swap3A_867, %swap3A_868] {strides = array<i32>} : memref<256x256xf32, #tpu.memory_space<vmem>>, vector<1x16xf32>,
      %swap3A_870 = vector.shape_cast %swap3A_869 : vector<1x16xf32> to vector<16xf32>
      %swap3A_871 = vector.shape_cast %get3A_817 : vector<16xf32> to vector<1x16xf32>
      tpu.vector_store %arg5[%swap3A_867, %swap3A_868], %swap3A_871 {strides = array<i32>} : memref<256x256xf32, #tpu.memory_space<vmem>>, vector<1x16xf32>,
      %mul3A_872 = arith.constant 8 : i32
      %mul3A_873 = arith.muli %scan3A_55, %mul3A_872 : i32
      %add3A_874 = arith.constant 6 : i32
      %add3A_875 = arith.addi %mul3A_873, %add3A_874 : i32
      %swap3A_876 = arith.index_cast %add3A_875 : i32 to index
      %swap3A_877 = arith.constant 160 : index
      %swap3A_878 = tpu.vector_load %arg5[%swap3A_876, %swap3A_877] {strides = array<i32>} : memref<256x256xf32, #tpu.memory_space<vmem>>, vector<1x16xf32>,
      %swap3A_879 = vector.shape_cast %swap3A_878 : vector<1x16xf32> to vector<16xf32>
      %swap3A_880 = vector.shape_cast %get3A_817 : vector<16xf32> to vector<1x16xf32>
      tpu.vector_store %arg5[%swap3A_876, %swap3A_877], %swap3A_880 {strides = array<i32>} : memref<256x256xf32, #tpu.memory_space<vmem>>, vector<1x16xf32>,
      %mul3A_881 = arith.constant 8 : i32
      %mul3A_882 = arith.muli %scan3A_55, %mul3A_881 : i32
      %add3A_883 = arith.constant 7 : i32
      %add3A_884 = arith.addi %mul3A_882, %add3A_883 : i32
      %swap3A_885 = arith.index_cast %add3A_884 : i32 to index
      %swap3A_886 = arith.constant 160 : index
      %swap3A_887 = tpu.vector_load %arg5[%swap3A_885, %swap3A_886] {strides = array<i32>} : memref<256x256xf32, #tpu.memory_space<vmem>>, vector<1x16xf32>,
      %swap3A_888 = vector.shape_cast %swap3A_887 : vector<1x16xf32> to vector<16xf32>
      %swap3A_889 = vector.shape_cast %get3A_817 : vector<16xf32> to vector<1x16xf32>
      tpu.vector_store %arg5[%swap3A_885, %swap3A_886], %swap3A_889 {strides = array<i32>} : memref<256x256xf32, #tpu.memory_space<vmem>>, vector<1x16xf32>,
      %get3A_890 = arith.index_cast %scan3A_55 : i32 to index
      %get3A_891 = arith.constant 176 : index
      %get3A_892 = tpu.vector_load %arg4[%get3A_890, %get3A_891] {strides = array<i32>} : memref<32x256xf32, #tpu.memory_space<vmem>>, vector<1x16xf32>,
      %get3A_893 = vector.shape_cast %get3A_892 : vector<1x16xf32> to vector<16xf32>
      %mul3A_894 = arith.constant 8 : i32
      %mul3A_895 = arith.muli %scan3A_55, %mul3A_894 : i32
      %add3A_896 = arith.constant 0 : i32
      %add3A_897 = arith.addi %mul3A_895, %add3A_896 : i32
      %swap3A_898 = arith.index_cast %add3A_897 : i32 to index
      %swap3A_899 = arith.constant 176 : index
      %swap3A_900 = tpu.vector_load %arg5[%swap3A_898, %swap3A_899] {strides = array<i32>} : memref<256x256xf32, #tpu.memory_space<vmem>>, vector<1x16xf32>,
      %swap3A_901 = vector.shape_cast %swap3A_900 : vector<1x16xf32> to vector<16xf32>
      %swap3A_902 = vector.shape_cast %get3A_893 : vector<16xf32> to vector<1x16xf32>
      tpu.vector_store %arg5[%swap3A_898, %swap3A_899], %swap3A_902 {strides = array<i32>} : memref<256x256xf32, #tpu.memory_space<vmem>>, vector<1x16xf32>,
      %mul3A_903 = arith.constant 8 : i32
      %mul3A_904 = arith.muli %scan3A_55, %mul3A_903 : i32
      %add3A_905 = arith.constant 1 : i32
      %add3A_906 = arith.addi %mul3A_904, %add3A_905 : i32
      %swap3A_907 = arith.index_cast %add3A_906 : i32 to index
      %swap3A_908 = arith.constant 176 : index
      %swap3A_909 = tpu.vector_load %arg5[%swap3A_907, %swap3A_908] {strides = array<i32>} : memref<256x256xf32, #tpu.memory_space<vmem>>, vector<1x16xf32>,
      %swap3A_910 = vector.shape_cast %swap3A_909 : vector<1x16xf32> to vector<16xf32>
      %swap3A_911 = vector.shape_cast %get3A_893 : vector<16xf32> to vector<1x16xf32>
      tpu.vector_store %arg5[%swap3A_907, %swap3A_908], %swap3A_911 {strides = array<i32>} : memref<256x256xf32, #tpu.memory_space<vmem>>, vector<1x16xf32>,
      %mul3A_912 = arith.constant 8 : i32
      %mul3A_913 = arith.muli %scan3A_55, %mul3A_912 : i32
      %add3A_914 = arith.constant 2 : i32
      %add3A_915 = arith.addi %mul3A_913, %add3A_914 : i32
      %swap3A_916 = arith.index_cast %add3A_915 : i32 to index
      %swap3A_917 = arith.constant 176 : index
      %swap3A_918 = tpu.vector_load %arg5[%swap3A_916, %swap3A_917] {strides = array<i32>} : memref<256x256xf32, #tpu.memory_space<vmem>>, vector<1x16xf32>,
      %swap3A_919 = vector.shape_cast %swap3A_918 : vector<1x16xf32> to vector<16xf32>
      %swap3A_920 = vector.shape_cast %get3A_893 : vector<16xf32> to vector<1x16xf32>
      tpu.vector_store %arg5[%swap3A_916, %swap3A_917], %swap3A_920 {strides = array<i32>} : memref<256x256xf32, #tpu.memory_space<vmem>>, vector<1x16xf32>,
      %mul3A_921 = arith.constant 8 : i32
      %mul3A_922 = arith.muli %scan3A_55, %mul3A_921 : i32
      %add3A_923 = arith.constant 3 : i32
      %add3A_924 = arith.addi %mul3A_922, %add3A_923 : i32
      %swap3A_925 = arith.index_cast %add3A_924 : i32 to index
      %swap3A_926 = arith.constant 176 : index
      %swap3A_927 = tpu.vector_load %arg5[%swap3A_925, %swap3A_926] {strides = array<i32>} : memref<256x256xf32, #tpu.memory_space<vmem>>, vector<1x16xf32>,
      %swap3A_928 = vector.shape_cast %swap3A_927 : vector<1x16xf32> to vector<16xf32>
      %swap3A_929 = vector.shape_cast %get3A_893 : vector<16xf32> to vector<1x16xf32>
      tpu.vector_store %arg5[%swap3A_925, %swap3A_926], %swap3A_929 {strides = array<i32>} : memref<256x256xf32, #tpu.memory_space<vmem>>, vector<1x16xf32>,
      %mul3A_930 = arith.constant 8 : i32
      %mul3A_931 = arith.muli %scan3A_55, %mul3A_930 : i32
      %add3A_932 = arith.constant 4 : i32
      %add3A_933 = arith.addi %mul3A_931, %add3A_932 : i32
      %swap3A_934 = arith.index_cast %add3A_933 : i32 to index
      %swap3A_935 = arith.constant 176 : index
      %swap3A_936 = tpu.vector_load %arg5[%swap3A_934, %swap3A_935] {strides = array<i32>} : memref<256x256xf32, #tpu.memory_space<vmem>>, vector<1x16xf32>,
      %swap3A_937 = vector.shape_cast %swap3A_936 : vector<1x16xf32> to vector<16xf32>
      %swap3A_938 = vector.shape_cast %get3A_893 : vector<16xf32> to vector<1x16xf32>
      tpu.vector_store %arg5[%swap3A_934, %swap3A_935], %swap3A_938 {strides = array<i32>} : memref<256x256xf32, #tpu.memory_space<vmem>>, vector<1x16xf32>,
      %mul3A_939 = arith.constant 8 : i32
      %mul3A_940 = arith.muli %scan3A_55, %mul3A_939 : i32
      %add3A_941 = arith.constant 5 : i32
      %add3A_942 = arith.addi %mul3A_940, %add3A_941 : i32
      %swap3A_943 = arith.index_cast %add3A_942 : i32 to index
      %swap3A_944 = arith.constant 176 : index
      %swap3A_945 = tpu.vector_load %arg5[%swap3A_943, %swap3A_944] {strides = array<i32>} : memref<256x256xf32, #tpu.memory_space<vmem>>, vector<1x16xf32>,
      %swap3A_946 = vector.shape_cast %swap3A_945 : vector<1x16xf32> to vector<16xf32>
      %swap3A_947 = vector.shape_cast %get3A_893 : vector<16xf32> to vector<1x16xf32>
      tpu.vector_store %arg5[%swap3A_943, %swap3A_944], %swap3A_947 {strides = array<i32>} : memref<256x256xf32, #tpu.memory_space<vmem>>, vector<1x16xf32>,
      %mul3A_948 = arith.constant 8 : i32
      %mul3A_949 = arith.muli %scan3A_55, %mul3A_948 : i32
      %add3A_950 = arith.constant 6 : i32
      %add3A_951 = arith.addi %mul3A_949, %add3A_950 : i32
      %swap3A_952 = arith.index_cast %add3A_951 : i32 to index
      %swap3A_953 = arith.constant 176 : index
      %swap3A_954 = tpu.vector_load %arg5[%swap3A_952, %swap3A_953] {strides = array<i32>} : memref<256x256xf32, #tpu.memory_space<vmem>>, vector<1x16xf32>,
      %swap3A_955 = vector.shape_cast %swap3A_954 : vector<1x16xf32> to vector<16xf32>
      %swap3A_956 = vector.shape_cast %get3A_893 : vector<16xf32> to vector<1x16xf32>
      tpu.vector_store %arg5[%swap3A_952, %swap3A_953], %swap3A_956 {strides = array<i32>} : memref<256x256xf32, #tpu.memory_space<vmem>>, vector<1x16xf32>,
      %mul3A_957 = arith.constant 8 : i32
      %mul3A_958 = arith.muli %scan3A_55, %mul3A_957 : i32
      %add3A_959 = arith.constant 7 : i32
      %add3A_960 = arith.addi %mul3A_958, %add3A_959 : i32
      %swap3A_961 = arith.index_cast %add3A_960 : i32 to index
      %swap3A_962 = arith.constant 176 : index
      %swap3A_963 = tpu.vector_load %arg5[%swap3A_961, %swap3A_962] {strides = array<i32>} : memref<256x256xf32, #tpu.memory_space<vmem>>, vector<1x16xf32>,
      %swap3A_964 = vector.shape_cast %swap3A_963 : vector<1x16xf32> to vector<16xf32>
      %swap3A_965 = vector.shape_cast %get3A_893 : vector<16xf32> to vector<1x16xf32>
      tpu.vector_store %arg5[%swap3A_961, %swap3A_962], %swap3A_965 {strides = array<i32>} : memref<256x256xf32, #tpu.memory_space<vmem>>, vector<1x16xf32>,
      %get3A_966 = arith.index_cast %scan3A_55 : i32 to index
      %get3A_967 = arith.constant 192 : index
      %get3A_968 = tpu.vector_load %arg4[%get3A_966, %get3A_967] {strides = array<i32>} : memref<32x256xf32, #tpu.memory_space<vmem>>, vector<1x16xf32>,
      %get3A_969 = vector.shape_cast %get3A_968 : vector<1x16xf32> to vector<16xf32>
      %mul3A_970 = arith.constant 8 : i32
      %mul3A_971 = arith.muli %scan3A_55, %mul3A_970 : i32
      %add3A_972 = arith.constant 0 : i32
      %add3A_973 = arith.addi %mul3A_971, %add3A_972 : i32
      %swap3A_974 = arith.index_cast %add3A_973 : i32 to index
      %swap3A_975 = arith.constant 192 : index
      %swap3A_976 = tpu.vector_load %arg5[%swap3A_974, %swap3A_975] {strides = array<i32>} : memref<256x256xf32, #tpu.memory_space<vmem>>, vector<1x16xf32>,
      %swap3A_977 = vector.shape_cast %swap3A_976 : vector<1x16xf32> to vector<16xf32>
      %swap3A_978 = vector.shape_cast %get3A_969 : vector<16xf32> to vector<1x16xf32>
      tpu.vector_store %arg5[%swap3A_974, %swap3A_975], %swap3A_978 {strides = array<i32>} : memref<256x256xf32, #tpu.memory_space<vmem>>, vector<1x16xf32>,
      %mul3A_979 = arith.constant 8 : i32
      %mul3A_980 = arith.muli %scan3A_55, %mul3A_979 : i32
      %add3A_981 = arith.constant 1 : i32
      %add3A_982 = arith.addi %mul3A_980, %add3A_981 : i32
      %swap3A_983 = arith.index_cast %add3A_982 : i32 to index
      %swap3A_984 = arith.constant 192 : index
      %swap3A_985 = tpu.vector_load %arg5[%swap3A_983, %swap3A_984] {strides = array<i32>} : memref<256x256xf32, #tpu.memory_space<vmem>>, vector<1x16xf32>,
      %swap3A_986 = vector.shape_cast %swap3A_985 : vector<1x16xf32> to vector<16xf32>
      %swap3A_987 = vector.shape_cast %get3A_969 : vector<16xf32> to vector<1x16xf32>
      tpu.vector_store %arg5[%swap3A_983, %swap3A_984], %swap3A_987 {strides = array<i32>} : memref<256x256xf32, #tpu.memory_space<vmem>>, vector<1x16xf32>,
      %mul3A_988 = arith.constant 8 : i32
      %mul3A_989 = arith.muli %scan3A_55, %mul3A_988 : i32
      %add3A_990 = arith.constant 2 : i32
      %add3A_991 = arith.addi %mul3A_989, %add3A_990 : i32
      %swap3A_992 = arith.index_cast %add3A_991 : i32 to index
      %swap3A_993 = arith.constant 192 : index
      %swap3A_994 = tpu.vector_load %arg5[%swap3A_992, %swap3A_993] {strides = array<i32>} : memref<256x256xf32, #tpu.memory_space<vmem>>, vector<1x16xf32>,
      %swap3A_995 = vector.shape_cast %swap3A_994 : vector<1x16xf32> to vector<16xf32>
      %swap3A_996 = vector.shape_cast %get3A_969 : vector<16xf32> to vector<1x16xf32>
      tpu.vector_store %arg5[%swap3A_992, %swap3A_993], %swap3A_996 {strides = array<i32>} : memref<256x256xf32, #tpu.memory_space<vmem>>, vector<1x16xf32>,
      %mul3A_997 = arith.constant 8 : i32
      %mul3A_998 = arith.muli %scan3A_55, %mul3A_997 : i32
      %add3A_999 = arith.constant 3 : i32
      %add3A_1000 = arith.addi %mul3A_998, %add3A_999 : i32
      %swap3A_1001 = arith.index_cast %add3A_1000 : i32 to index
      %swap3A_1002 = arith.constant 192 : index
      %swap3A_1003 = tpu.vector_load %arg5[%swap3A_1001, %swap3A_1002] {strides = array<i32>} : memref<256x256xf32, #tpu.memory_space<vmem>>, vector<1x16xf32>,
      %swap3A_1004 = vector.shape_cast %swap3A_1003 : vector<1x16xf32> to vector<16xf32>
      %swap3A_1005 = vector.shape_cast %get3A_969 : vector<16xf32> to vector<1x16xf32>
      tpu.vector_store %arg5[%swap3A_1001, %swap3A_1002], %swap3A_1005 {strides = array<i32>} : memref<256x256xf32, #tpu.memory_space<vmem>>, vector<1x16xf32>,
      %mul3A_1006 = arith.constant 8 : i32
      %mul3A_1007 = arith.muli %scan3A_55, %mul3A_1006 : i32
      %add3A_1008 = arith.constant 4 : i32
      %add3A_1009 = arith.addi %mul3A_1007, %add3A_1008 : i32
      %swap3A_1010 = arith.index_cast %add3A_1009 : i32 to index
      %swap3A_1011 = arith.constant 192 : index
      %swap3A_1012 = tpu.vector_load %arg5[%swap3A_1010, %swap3A_1011] {strides = array<i32>} : memref<256x256xf32, #tpu.memory_space<vmem>>, vector<1x16xf32>,
      %swap3A_1013 = vector.shape_cast %swap3A_1012 : vector<1x16xf32> to vector<16xf32>
      %swap3A_1014 = vector.shape_cast %get3A_969 : vector<16xf32> to vector<1x16xf32>
      tpu.vector_store %arg5[%swap3A_1010, %swap3A_1011], %swap3A_1014 {strides = array<i32>} : memref<256x256xf32, #tpu.memory_space<vmem>>, vector<1x16xf32>,
      %mul3A_1015 = arith.constant 8 : i32
      %mul3A_1016 = arith.muli %scan3A_55, %mul3A_1015 : i32
      %add3A_1017 = arith.constant 5 : i32
      %add3A_1018 = arith.addi %mul3A_1016, %add3A_1017 : i32
      %swap3A_1019 = arith.index_cast %add3A_1018 : i32 to index
      %swap3A_1020 = arith.constant 192 : index
      %swap3A_1021 = tpu.vector_load %arg5[%swap3A_1019, %swap3A_1020] {strides = array<i32>} : memref<256x256xf32, #tpu.memory_space<vmem>>, vector<1x16xf32>,
      %swap3A_1022 = vector.shape_cast %swap3A_1021 : vector<1x16xf32> to vector<16xf32>
      %swap3A_1023 = vector.shape_cast %get3A_969 : vector<16xf32> to vector<1x16xf32>
      tpu.vector_store %arg5[%swap3A_1019, %swap3A_1020], %swap3A_1023 {strides = array<i32>} : memref<256x256xf32, #tpu.memory_space<vmem>>, vector<1x16xf32>,
      %mul3A_1024 = arith.constant 8 : i32
      %mul3A_1025 = arith.muli %scan3A_55, %mul3A_1024 : i32
      %add3A_1026 = arith.constant 6 : i32
      %add3A_1027 = arith.addi %mul3A_1025, %add3A_1026 : i32
      %swap3A_1028 = arith.index_cast %add3A_1027 : i32 to index
      %swap3A_1029 = arith.constant 192 : index
      %swap3A_1030 = tpu.vector_load %arg5[%swap3A_1028, %swap3A_1029] {strides = array<i32>} : memref<256x256xf32, #tpu.memory_space<vmem>>, vector<1x16xf32>,
      %swap3A_1031 = vector.shape_cast %swap3A_1030 : vector<1x16xf32> to vector<16xf32>
      %swap3A_1032 = vector.shape_cast %get3A_969 : vector<16xf32> to vector<1x16xf32>
      tpu.vector_store %arg5[%swap3A_1028, %swap3A_1029], %swap3A_1032 {strides = array<i32>} : memref<256x256xf32, #tpu.memory_space<vmem>>, vector<1x16xf32>,
      %mul3A_1033 = arith.constant 8 : i32
      %mul3A_1034 = arith.muli %scan3A_55, %mul3A_1033 : i32
      %add3A_1035 = arith.constant 7 : i32
      %add3A_1036 = arith.addi %mul3A_1034, %add3A_1035 : i32
      %swap3A_1037 = arith.index_cast %add3A_1036 : i32 to index
      %swap3A_1038 = arith.constant 192 : index
      %swap3A_1039 = tpu.vector_load %arg5[%swap3A_1037, %swap3A_1038] {strides = array<i32>} : memref<256x256xf32, #tpu.memory_space<vmem>>, vector<1x16xf32>,
      %swap3A_1040 = vector.shape_cast %swap3A_1039 : vector<1x16xf32> to vector<16xf32>
      %swap3A_1041 = vector.shape_cast %get3A_969 : vector<16xf32> to vector<1x16xf32>
      tpu.vector_store %arg5[%swap3A_1037, %swap3A_1038], %swap3A_1041 {strides = array<i32>} : memref<256x256xf32, #tpu.memory_space<vmem>>, vector<1x16xf32>,
      %get3A_1042 = arith.index_cast %scan3A_55 : i32 to index
      %get3A_1043 = arith.constant 208 : index
      %get3A_1044 = tpu.vector_load %arg4[%get3A_1042, %get3A_1043] {strides = array<i32>} : memref<32x256xf32, #tpu.memory_space<vmem>>, vector<1x16xf32>,
      %get3A_1045 = vector.shape_cast %get3A_1044 : vector<1x16xf32> to vector<16xf32>
      %mul3A_1046 = arith.constant 8 : i32
      %mul3A_1047 = arith.muli %scan3A_55, %mul3A_1046 : i32
      %add3A_1048 = arith.constant 0 : i32
      %add3A_1049 = arith.addi %mul3A_1047, %add3A_1048 : i32
      %swap3A_1050 = arith.index_cast %add3A_1049 : i32 to index
      %swap3A_1051 = arith.constant 208 : index
      %swap3A_1052 = tpu.vector_load %arg5[%swap3A_1050, %swap3A_1051] {strides = array<i32>} : memref<256x256xf32, #tpu.memory_space<vmem>>, vector<1x16xf32>,
      %swap3A_1053 = vector.shape_cast %swap3A_1052 : vector<1x16xf32> to vector<16xf32>
      %swap3A_1054 = vector.shape_cast %get3A_1045 : vector<16xf32> to vector<1x16xf32>
      tpu.vector_store %arg5[%swap3A_1050, %swap3A_1051], %swap3A_1054 {strides = array<i32>} : memref<256x256xf32, #tpu.memory_space<vmem>>, vector<1x16xf32>,
      %mul3A_1055 = arith.constant 8 : i32
      %mul3A_1056 = arith.muli %scan3A_55, %mul3A_1055 : i32
      %add3A_1057 = arith.constant 1 : i32
      %add3A_1058 = arith.addi %mul3A_1056, %add3A_1057 : i32
      %swap3A_1059 = arith.index_cast %add3A_1058 : i32 to index
      %swap3A_1060 = arith.constant 208 : index
      %swap3A_1061 = tpu.vector_load %arg5[%swap3A_1059, %swap3A_1060] {strides = array<i32>} : memref<256x256xf32, #tpu.memory_space<vmem>>, vector<1x16xf32>,
      %swap3A_1062 = vector.shape_cast %swap3A_1061 : vector<1x16xf32> to vector<16xf32>
      %swap3A_1063 = vector.shape_cast %get3A_1045 : vector<16xf32> to vector<1x16xf32>
      tpu.vector_store %arg5[%swap3A_1059, %swap3A_1060], %swap3A_1063 {strides = array<i32>} : memref<256x256xf32, #tpu.memory_space<vmem>>, vector<1x16xf32>,
      %mul3A_1064 = arith.constant 8 : i32
      %mul3A_1065 = arith.muli %scan3A_55, %mul3A_1064 : i32
      %add3A_1066 = arith.constant 2 : i32
      %add3A_1067 = arith.addi %mul3A_1065, %add3A_1066 : i32
      %swap3A_1068 = arith.index_cast %add3A_1067 : i32 to index
      %swap3A_1069 = arith.constant 208 : index
      %swap3A_1070 = tpu.vector_load %arg5[%swap3A_1068, %swap3A_1069] {strides = array<i32>} : memref<256x256xf32, #tpu.memory_space<vmem>>, vector<1x16xf32>,
      %swap3A_1071 = vector.shape_cast %swap3A_1070 : vector<1x16xf32> to vector<16xf32>
      %swap3A_1072 = vector.shape_cast %get3A_1045 : vector<16xf32> to vector<1x16xf32>
      tpu.vector_store %arg5[%swap3A_1068, %swap3A_1069], %swap3A_1072 {strides = array<i32>} : memref<256x256xf32, #tpu.memory_space<vmem>>, vector<1x16xf32>,
      %mul3A_1073 = arith.constant 8 : i32
      %mul3A_1074 = arith.muli %scan3A_55, %mul3A_1073 : i32
      %add3A_1075 = arith.constant 3 : i32
      %add3A_1076 = arith.addi %mul3A_1074, %add3A_1075 : i32
      %swap3A_1077 = arith.index_cast %add3A_1076 : i32 to index
      %swap3A_1078 = arith.constant 208 : index
      %swap3A_1079 = tpu.vector_load %arg5[%swap3A_1077, %swap3A_1078] {strides = array<i32>} : memref<256x256xf32, #tpu.memory_space<vmem>>, vector<1x16xf32>,
      %swap3A_1080 = vector.shape_cast %swap3A_1079 : vector<1x16xf32> to vector<16xf32>
      %swap3A_1081 = vector.shape_cast %get3A_1045 : vector<16xf32> to vector<1x16xf32>
      tpu.vector_store %arg5[%swap3A_1077, %swap3A_1078], %swap3A_1081 {strides = array<i32>} : memref<256x256xf32, #tpu.memory_space<vmem>>, vector<1x16xf32>,
      %mul3A_1082 = arith.constant 8 : i32
      %mul3A_1083 = arith.muli %scan3A_55, %mul3A_1082 : i32
      %add3A_1084 = arith.constant 4 : i32
      %add3A_1085 = arith.addi %mul3A_1083, %add3A_1084 : i32
      %swap3A_1086 = arith.index_cast %add3A_1085 : i32 to index
      %swap3A_1087 = arith.constant 208 : index
      %swap3A_1088 = tpu.vector_load %arg5[%swap3A_1086, %swap3A_1087] {strides = array<i32>} : memref<256x256xf32, #tpu.memory_space<vmem>>, vector<1x16xf32>,
      %swap3A_1089 = vector.shape_cast %swap3A_1088 : vector<1x16xf32> to vector<16xf32>
      %swap3A_1090 = vector.shape_cast %get3A_1045 : vector<16xf32> to vector<1x16xf32>
      tpu.vector_store %arg5[%swap3A_1086, %swap3A_1087], %swap3A_1090 {strides = array<i32>} : memref<256x256xf32, #tpu.memory_space<vmem>>, vector<1x16xf32>,
      %mul3A_1091 = arith.constant 8 : i32
      %mul3A_1092 = arith.muli %scan3A_55, %mul3A_1091 : i32
      %add3A_1093 = arith.constant 5 : i32
      %add3A_1094 = arith.addi %mul3A_1092, %add3A_1093 : i32
      %swap3A_1095 = arith.index_cast %add3A_1094 : i32 to index
      %swap3A_1096 = arith.constant 208 : index
      %swap3A_1097 = tpu.vector_load %arg5[%swap3A_1095, %swap3A_1096] {strides = array<i32>} : memref<256x256xf32, #tpu.memory_space<vmem>>, vector<1x16xf32>,
      %swap3A_1098 = vector.shape_cast %swap3A_1097 : vector<1x16xf32> to vector<16xf32>
      %swap3A_1099 = vector.shape_cast %get3A_1045 : vector<16xf32> to vector<1x16xf32>
      tpu.vector_store %arg5[%swap3A_1095, %swap3A_1096], %swap3A_1099 {strides = array<i32>} : memref<256x256xf32, #tpu.memory_space<vmem>>, vector<1x16xf32>,
      %mul3A_1100 = arith.constant 8 : i32
      %mul3A_1101 = arith.muli %scan3A_55, %mul3A_1100 : i32
      %add3A_1102 = arith.constant 6 : i32
      %add3A_1103 = arith.addi %mul3A_1101, %add3A_1102 : i32
      %swap3A_1104 = arith.index_cast %add3A_1103 : i32 to index
      %swap3A_1105 = arith.constant 208 : index
      %swap3A_1106 = tpu.vector_load %arg5[%swap3A_1104, %swap3A_1105] {strides = array<i32>} : memref<256x256xf32, #tpu.memory_space<vmem>>, vector<1x16xf32>,
      %swap3A_1107 = vector.shape_cast %swap3A_1106 : vector<1x16xf32> to vector<16xf32>
      %swap3A_1108 = vector.shape_cast %get3A_1045 : vector<16xf32> to vector<1x16xf32>
      tpu.vector_store %arg5[%swap3A_1104, %swap3A_1105], %swap3A_1108 {strides = array<i32>} : memref<256x256xf32, #tpu.memory_space<vmem>>, vector<1x16xf32>,
      %mul3A_1109 = arith.constant 8 : i32
      %mul3A_1110 = arith.muli %scan3A_55, %mul3A_1109 : i32
      %add3A_1111 = arith.constant 7 : i32
      %add3A_1112 = arith.addi %mul3A_1110, %add3A_1111 : i32
      %swap3A_1113 = arith.index_cast %add3A_1112 : i32 to index
      %swap3A_1114 = arith.constant 208 : index
      %swap3A_1115 = tpu.vector_load %arg5[%swap3A_1113, %swap3A_1114] {strides = array<i32>} : memref<256x256xf32, #tpu.memory_space<vmem>>, vector<1x16xf32>,
      %swap3A_1116 = vector.shape_cast %swap3A_1115 : vector<1x16xf32> to vector<16xf32>
      %swap3A_1117 = vector.shape_cast %get3A_1045 : vector<16xf32> to vector<1x16xf32>
      tpu.vector_store %arg5[%swap3A_1113, %swap3A_1114], %swap3A_1117 {strides = array<i32>} : memref<256x256xf32, #tpu.memory_space<vmem>>, vector<1x16xf32>,
      %get3A_1118 = arith.index_cast %scan3A_55 : i32 to index
      %get3A_1119 = arith.constant 224 : index
      %get3A_1120 = tpu.vector_load %arg4[%get3A_1118, %get3A_1119] {strides = array<i32>} : memref<32x256xf32, #tpu.memory_space<vmem>>, vector<1x16xf32>,
      %get3A_1121 = vector.shape_cast %get3A_1120 : vector<1x16xf32> to vector<16xf32>
      %mul3A_1122 = arith.constant 8 : i32
      %mul3A_1123 = arith.muli %scan3A_55, %mul3A_1122 : i32
      %add3A_1124 = arith.constant 0 : i32
      %add3A_1125 = arith.addi %mul3A_1123, %add3A_1124 : i32
      %swap3A_1126 = arith.index_cast %add3A_1125 : i32 to index
      %swap3A_1127 = arith.constant 224 : index
      %swap3A_1128 = tpu.vector_load %arg5[%swap3A_1126, %swap3A_1127] {strides = array<i32>} : memref<256x256xf32, #tpu.memory_space<vmem>>, vector<1x16xf32>,
      %swap3A_1129 = vector.shape_cast %swap3A_1128 : vector<1x16xf32> to vector<16xf32>
      %swap3A_1130 = vector.shape_cast %get3A_1121 : vector<16xf32> to vector<1x16xf32>
      tpu.vector_store %arg5[%swap3A_1126, %swap3A_1127], %swap3A_1130 {strides = array<i32>} : memref<256x256xf32, #tpu.memory_space<vmem>>, vector<1x16xf32>,
      %mul3A_1131 = arith.constant 8 : i32
      %mul3A_1132 = arith.muli %scan3A_55, %mul3A_1131 : i32
      %add3A_1133 = arith.constant 1 : i32
      %add3A_1134 = arith.addi %mul3A_1132, %add3A_1133 : i32
      %swap3A_1135 = arith.index_cast %add3A_1134 : i32 to index
      %swap3A_1136 = arith.constant 224 : index
      %swap3A_1137 = tpu.vector_load %arg5[%swap3A_1135, %swap3A_1136] {strides = array<i32>} : memref<256x256xf32, #tpu.memory_space<vmem>>, vector<1x16xf32>,
      %swap3A_1138 = vector.shape_cast %swap3A_1137 : vector<1x16xf32> to vector<16xf32>
      %swap3A_1139 = vector.shape_cast %get3A_1121 : vector<16xf32> to vector<1x16xf32>
      tpu.vector_store %arg5[%swap3A_1135, %swap3A_1136], %swap3A_1139 {strides = array<i32>} : memref<256x256xf32, #tpu.memory_space<vmem>>, vector<1x16xf32>,
      %mul3A_1140 = arith.constant 8 : i32
      %mul3A_1141 = arith.muli %scan3A_55, %mul3A_1140 : i32
      %add3A_1142 = arith.constant 2 : i32
      %add3A_1143 = arith.addi %mul3A_1141, %add3A_1142 : i32
      %swap3A_1144 = arith.index_cast %add3A_1143 : i32 to index
      %swap3A_1145 = arith.constant 224 : index
      %swap3A_1146 = tpu.vector_load %arg5[%swap3A_1144, %swap3A_1145] {strides = array<i32>} : memref<256x256xf32, #tpu.memory_space<vmem>>, vector<1x16xf32>,
      %swap3A_1147 = vector.shape_cast %swap3A_1146 : vector<1x16xf32> to vector<16xf32>
      %swap3A_1148 = vector.shape_cast %get3A_1121 : vector<16xf32> to vector<1x16xf32>
      tpu.vector_store %arg5[%swap3A_1144, %swap3A_1145], %swap3A_1148 {strides = array<i32>} : memref<256x256xf32, #tpu.memory_space<vmem>>, vector<1x16xf32>,
      %mul3A_1149 = arith.constant 8 : i32
      %mul3A_1150 = arith.muli %scan3A_55, %mul3A_1149 : i32
      %add3A_1151 = arith.constant 3 : i32
      %add3A_1152 = arith.addi %mul3A_1150, %add3A_1151 : i32
      %swap3A_1153 = arith.index_cast %add3A_1152 : i32 to index
      %swap3A_1154 = arith.constant 224 : index
      %swap3A_1155 = tpu.vector_load %arg5[%swap3A_1153, %swap3A_1154] {strides = array<i32>} : memref<256x256xf32, #tpu.memory_space<vmem>>, vector<1x16xf32>,
      %swap3A_1156 = vector.shape_cast %swap3A_1155 : vector<1x16xf32> to vector<16xf32>
      %swap3A_1157 = vector.shape_cast %get3A_1121 : vector<16xf32> to vector<1x16xf32>
      tpu.vector_store %arg5[%swap3A_1153, %swap3A_1154], %swap3A_1157 {strides = array<i32>} : memref<256x256xf32, #tpu.memory_space<vmem>>, vector<1x16xf32>,
      %mul3A_1158 = arith.constant 8 : i32
      %mul3A_1159 = arith.muli %scan3A_55, %mul3A_1158 : i32
      %add3A_1160 = arith.constant 4 : i32
      %add3A_1161 = arith.addi %mul3A_1159, %add3A_1160 : i32
      %swap3A_1162 = arith.index_cast %add3A_1161 : i32 to index
      %swap3A_1163 = arith.constant 224 : index
      %swap3A_1164 = tpu.vector_load %arg5[%swap3A_1162, %swap3A_1163] {strides = array<i32>} : memref<256x256xf32, #tpu.memory_space<vmem>>, vector<1x16xf32>,
      %swap3A_1165 = vector.shape_cast %swap3A_1164 : vector<1x16xf32> to vector<16xf32>
      %swap3A_1166 = vector.shape_cast %get3A_1121 : vector<16xf32> to vector<1x16xf32>
      tpu.vector_store %arg5[%swap3A_1162, %swap3A_1163], %swap3A_1166 {strides = array<i32>} : memref<256x256xf32, #tpu.memory_space<vmem>>, vector<1x16xf32>,
      %mul3A_1167 = arith.constant 8 : i32
      %mul3A_1168 = arith.muli %scan3A_55, %mul3A_1167 : i32
      %add3A_1169 = arith.constant 5 : i32
      %add3A_1170 = arith.addi %mul3A_1168, %add3A_1169 : i32
      %swap3A_1171 = arith.index_cast %add3A_1170 : i32 to index
      %swap3A_1172 = arith.constant 224 : index
      %swap3A_1173 = tpu.vector_load %arg5[%swap3A_1171, %swap3A_1172] {strides = array<i32>} : memref<256x256xf32, #tpu.memory_space<vmem>>, vector<1x16xf32>,
      %swap3A_1174 = vector.shape_cast %swap3A_1173 : vector<1x16xf32> to vector<16xf32>
      %swap3A_1175 = vector.shape_cast %get3A_1121 : vector<16xf32> to vector<1x16xf32>
      tpu.vector_store %arg5[%swap3A_1171, %swap3A_1172], %swap3A_1175 {strides = array<i32>} : memref<256x256xf32, #tpu.memory_space<vmem>>, vector<1x16xf32>,
      %mul3A_1176 = arith.constant 8 : i32
      %mul3A_1177 = arith.muli %scan3A_55, %mul3A_1176 : i32
      %add3A_1178 = arith.constant 6 : i32
      %add3A_1179 = arith.addi %mul3A_1177, %add3A_1178 : i32
      %swap3A_1180 = arith.index_cast %add3A_1179 : i32 to index
      %swap3A_1181 = arith.constant 224 : index
      %swap3A_1182 = tpu.vector_load %arg5[%swap3A_1180, %swap3A_1181] {strides = array<i32>} : memref<256x256xf32, #tpu.memory_space<vmem>>, vector<1x16xf32>,
      %swap3A_1183 = vector.shape_cast %swap3A_1182 : vector<1x16xf32> to vector<16xf32>
      %swap3A_1184 = vector.shape_cast %get3A_1121 : vector<16xf32> to vector<1x16xf32>
      tpu.vector_store %arg5[%swap3A_1180, %swap3A_1181], %swap3A_1184 {strides = array<i32>} : memref<256x256xf32, #tpu.memory_space<vmem>>, vector<1x16xf32>,
      %mul3A_1185 = arith.constant 8 : i32
      %mul3A_1186 = arith.muli %scan3A_55, %mul3A_1185 : i32
      %add3A_1187 = arith.constant 7 : i32
      %add3A_1188 = arith.addi %mul3A_1186, %add3A_1187 : i32
      %swap3A_1189 = arith.index_cast %add3A_1188 : i32 to index
      %swap3A_1190 = arith.constant 224 : index
      %swap3A_1191 = tpu.vector_load %arg5[%swap3A_1189, %swap3A_1190] {strides = array<i32>} : memref<256x256xf32, #tpu.memory_space<vmem>>, vector<1x16xf32>,
      %swap3A_1192 = vector.shape_cast %swap3A_1191 : vector<1x16xf32> to vector<16xf32>
      %swap3A_1193 = vector.shape_cast %get3A_1121 : vector<16xf32> to vector<1x16xf32>
      tpu.vector_store %arg5[%swap3A_1189, %swap3A_1190], %swap3A_1193 {strides = array<i32>} : memref<256x256xf32, #tpu.memory_space<vmem>>, vector<1x16xf32>,
      %get3A_1194 = arith.index_cast %scan3A_55 : i32 to index
      %get3A_1195 = arith.constant 240 : index
      %get3A_1196 = tpu.vector_load %arg4[%get3A_1194, %get3A_1195] {strides = array<i32>} : memref<32x256xf32, #tpu.memory_space<vmem>>, vector<1x16xf32>,
      %get3A_1197 = vector.shape_cast %get3A_1196 : vector<1x16xf32> to vector<16xf32>
      %mul3A_1198 = arith.constant 8 : i32
      %mul3A_1199 = arith.muli %scan3A_55, %mul3A_1198 : i32
      %add3A_1200 = arith.constant 0 : i32
      %add3A_1201 = arith.addi %mul3A_1199, %add3A_1200 : i32
      %swap3A_1202 = arith.index_cast %add3A_1201 : i32 to index
      %swap3A_1203 = arith.constant 240 : index
      %swap3A_1204 = tpu.vector_load %arg5[%swap3A_1202, %swap3A_1203] {strides = array<i32>} : memref<256x256xf32, #tpu.memory_space<vmem>>, vector<1x16xf32>,
      %swap3A_1205 = vector.shape_cast %swap3A_1204 : vector<1x16xf32> to vector<16xf32>
      %swap3A_1206 = vector.shape_cast %get3A_1197 : vector<16xf32> to vector<1x16xf32>
      tpu.vector_store %arg5[%swap3A_1202, %swap3A_1203], %swap3A_1206 {strides = array<i32>} : memref<256x256xf32, #tpu.memory_space<vmem>>, vector<1x16xf32>,
      %mul3A_1207 = arith.constant 8 : i32
      %mul3A_1208 = arith.muli %scan3A_55, %mul3A_1207 : i32
      %add3A_1209 = arith.constant 1 : i32
      %add3A_1210 = arith.addi %mul3A_1208, %add3A_1209 : i32
      %swap3A_1211 = arith.index_cast %add3A_1210 : i32 to index
      %swap3A_1212 = arith.constant 240 : index
      %swap3A_1213 = tpu.vector_load %arg5[%swap3A_1211, %swap3A_1212] {strides = array<i32>} : memref<256x256xf32, #tpu.memory_space<vmem>>, vector<1x16xf32>,
      %swap3A_1214 = vector.shape_cast %swap3A_1213 : vector<1x16xf32> to vector<16xf32>
      %swap3A_1215 = vector.shape_cast %get3A_1197 : vector<16xf32> to vector<1x16xf32>
      tpu.vector_store %arg5[%swap3A_1211, %swap3A_1212], %swap3A_1215 {strides = array<i32>} : memref<256x256xf32, #tpu.memory_space<vmem>>, vector<1x16xf32>,
      %mul3A_1216 = arith.constant 8 : i32
      %mul3A_1217 = arith.muli %scan3A_55, %mul3A_1216 : i32
      %add3A_1218 = arith.constant 2 : i32
      %add3A_1219 = arith.addi %mul3A_1217, %add3A_1218 : i32
      %swap3A_1220 = arith.index_cast %add3A_1219 : i32 to index
      %swap3A_1221 = arith.constant 240 : index
      %swap3A_1222 = tpu.vector_load %arg5[%swap3A_1220, %swap3A_1221] {strides = array<i32>} : memref<256x256xf32, #tpu.memory_space<vmem>>, vector<1x16xf32>,
      %swap3A_1223 = vector.shape_cast %swap3A_1222 : vector<1x16xf32> to vector<16xf32>
      %swap3A_1224 = vector.shape_cast %get3A_1197 : vector<16xf32> to vector<1x16xf32>
      tpu.vector_store %arg5[%swap3A_1220, %swap3A_1221], %swap3A_1224 {strides = array<i32>} : memref<256x256xf32, #tpu.memory_space<vmem>>, vector<1x16xf32>,
      %mul3A_1225 = arith.constant 8 : i32
      %mul3A_1226 = arith.muli %scan3A_55, %mul3A_1225 : i32
      %add3A_1227 = arith.constant 3 : i32
      %add3A_1228 = arith.addi %mul3A_1226, %add3A_1227 : i32
      %swap3A_1229 = arith.index_cast %add3A_1228 : i32 to index
      %swap3A_1230 = arith.constant 240 : index
      %swap3A_1231 = tpu.vector_load %arg5[%swap3A_1229, %swap3A_1230] {strides = array<i32>} : memref<256x256xf32, #tpu.memory_space<vmem>>, vector<1x16xf32>,
      %swap3A_1232 = vector.shape_cast %swap3A_1231 : vector<1x16xf32> to vector<16xf32>
      %swap3A_1233 = vector.shape_cast %get3A_1197 : vector<16xf32> to vector<1x16xf32>
      tpu.vector_store %arg5[%swap3A_1229, %swap3A_1230], %swap3A_1233 {strides = array<i32>} : memref<256x256xf32, #tpu.memory_space<vmem>>, vector<1x16xf32>,
      %mul3A_1234 = arith.constant 8 : i32
      %mul3A_1235 = arith.muli %scan3A_55, %mul3A_1234 : i32
      %add3A_1236 = arith.constant 4 : i32
      %add3A_1237 = arith.addi %mul3A_1235, %add3A_1236 : i32
      %swap3A_1238 = arith.index_cast %add3A_1237 : i32 to index
      %swap3A_1239 = arith.constant 240 : index
      %swap3A_1240 = tpu.vector_load %arg5[%swap3A_1238, %swap3A_1239] {strides = array<i32>} : memref<256x256xf32, #tpu.memory_space<vmem>>, vector<1x16xf32>,
      %swap3A_1241 = vector.shape_cast %swap3A_1240 : vector<1x16xf32> to vector<16xf32>
      %swap3A_1242 = vector.shape_cast %get3A_1197 : vector<16xf32> to vector<1x16xf32>
      tpu.vector_store %arg5[%swap3A_1238, %swap3A_1239], %swap3A_1242 {strides = array<i32>} : memref<256x256xf32, #tpu.memory_space<vmem>>, vector<1x16xf32>,
      %mul3A_1243 = arith.constant 8 : i32
      %mul3A_1244 = arith.muli %scan3A_55, %mul3A_1243 : i32
      %add3A_1245 = arith.constant 5 : i32
      %add3A_1246 = arith.addi %mul3A_1244, %add3A_1245 : i32
      %swap3A_1247 = arith.index_cast %add3A_1246 : i32 to index
      %swap3A_1248 = arith.constant 240 : index
      %swap3A_1249 = tpu.vector_load %arg5[%swap3A_1247, %swap3A_1248] {strides = array<i32>} : memref<256x256xf32, #tpu.memory_space<vmem>>, vector<1x16xf32>,
      %swap3A_1250 = vector.shape_cast %swap3A_1249 : vector<1x16xf32> to vector<16xf32>
      %swap3A_1251 = vector.shape_cast %get3A_1197 : vector<16xf32> to vector<1x16xf32>
      tpu.vector_store %arg5[%swap3A_1247, %swap3A_1248], %swap3A_1251 {strides = array<i32>} : memref<256x256xf32, #tpu.memory_space<vmem>>, vector<1x16xf32>,
      %mul3A_1252 = arith.constant 8 : i32
      %mul3A_1253 = arith.muli %scan3A_55, %mul3A_1252 : i32
      %add3A_1254 = arith.constant 6 : i32
      %add3A_1255 = arith.addi %mul3A_1253, %add3A_1254 : i32
      %swap3A_1256 = arith.index_cast %add3A_1255 : i32 to index
      %swap3A_1257 = arith.constant 240 : index
      %swap3A_1258 = tpu.vector_load %arg5[%swap3A_1256, %swap3A_1257] {strides = array<i32>} : memref<256x256xf32, #tpu.memory_space<vmem>>, vector<1x16xf32>,
      %swap3A_1259 = vector.shape_cast %swap3A_1258 : vector<1x16xf32> to vector<16xf32>
      %swap3A_1260 = vector.shape_cast %get3A_1197 : vector<16xf32> to vector<1x16xf32>
      tpu.vector_store %arg5[%swap3A_1256, %swap3A_1257], %swap3A_1260 {strides = array<i32>} : memref<256x256xf32, #tpu.memory_space<vmem>>, vector<1x16xf32>,
      %mul3A_1261 = arith.constant 8 : i32
      %mul3A_1262 = arith.muli %scan3A_55, %mul3A_1261 : i32
      %add3A_1263 = arith.constant 7 : i32
      %add3A_1264 = arith.addi %mul3A_1262, %add3A_1263 : i32
      %swap3A_1265 = arith.index_cast %add3A_1264 : i32 to index
      %swap3A_1266 = arith.constant 240 : index
      %swap3A_1267 = tpu.vector_load %arg5[%swap3A_1265, %swap3A_1266] {strides = array<i32>} : memref<256x256xf32, #tpu.memory_space<vmem>>, vector<1x16xf32>,
      %swap3A_1268 = vector.shape_cast %swap3A_1267 : vector<1x16xf32> to vector<16xf32>
      %swap3A_1269 = vector.shape_cast %get3A_1197 : vector<16xf32> to vector<1x16xf32>
      tpu.vector_store %arg5[%swap3A_1265, %swap3A_1266], %swap3A_1269 {strides = array<i32>} : memref<256x256xf32, #tpu.memory_space<vmem>>, vector<1x16xf32>,
    }
    %scan3A_14 = arith.constant 32 : i32
    %add3A_15 = arith.constant 0 : i32
    %add3A_16 = arith.addi %add3A_15, %mul3A_2 : i32
    %dma_start3A_17 = arith.constant 0 : i32
    %dma_start3A_18 = tpu.memref_slice %arg3[%add3A_16, %dma_start3A_17] : memref<32768x256xf32, #tpu.memory_space<hbm>> -> memref<256x256xf32, #tpu.memory_space<hbm>>
    %dma_start3A_19 = arith.constant 0 : i32
    %dma_start3A_20 = tpu.memref_slice %arg3[%add3A_16, %dma_start3A_19] : memref<32768x256xf32, #tpu.memory_space<hbm>> -> memref<256x256xf32, #tpu.memory_space<hbm>>
    tpu.enqueue_dma source(%arg5 : memref<256x256xf32, #tpu.memory_space<vmem>>) target(%dma_start3A_20 : memref<256x256xf32, #tpu.memory_space<hbm>>) target_semaphore(%arg7 : memref<!tpu.dma_semaphore, #tpu.memory_space<semaphore_mem>>)
    %add3A_21 = arith.constant 8192 : i32
    %add3A_22 = arith.addi %add3A_21, %mul3A_2 : i32
    %dma_start3A_23 = arith.constant 0 : i32
    %dma_start3A_24 = tpu.memref_slice %arg3[%add3A_22, %dma_start3A_23] : memref<32768x256xf32, #tpu.memory_space<hbm>> -> memref<256x256xf32, #tpu.memory_space<hbm>>
    %dma_start3A_25 = arith.constant 0 : i32
    %dma_start3A_26 = tpu.memref_slice %arg3[%add3A_22, %dma_start3A_25] : memref<32768x256xf32, #tpu.memory_space<hbm>> -> memref<256x256xf32, #tpu.memory_space<hbm>>
    tpu.enqueue_dma source(%arg5 : memref<256x256xf32, #tpu.memory_space<vmem>>) target(%dma_start3A_26 : memref<256x256xf32, #tpu.memory_space<hbm>>) target_semaphore(%arg7 : memref<!tpu.dma_semaphore, #tpu.memory_space<semaphore_mem>>)
    %add3A_27 = arith.constant 16384 : i32
    %add3A_28 = arith.addi %add3A_27, %mul3A_2 : i32
    %dma_start3A_29 = arith.constant 0 : i32
    %dma_start3A_30 = tpu.memref_slice %arg3[%add3A_28, %dma_start3A_29] : memref<32768x256xf32, #tpu.memory_space<hbm>> -> memref<256x256xf32, #tpu.memory_space<hbm>>
    %dma_start3A_31 = arith.constant 0 : i32
    %dma_start3A_32 = tpu.memref_slice %arg3[%add3A_28, %dma_start3A_31] : memref<32768x256xf32, #tpu.memory_space<hbm>> -> memref<256x256xf32, #tpu.memory_space<hbm>>
    tpu.enqueue_dma source(%arg5 : memref<256x256xf32, #tpu.memory_space<vmem>>) target(%dma_start3A_32 : memref<256x256xf32, #tpu.memory_space<hbm>>) target_semaphore(%arg7 : memref<!tpu.dma_semaphore, #tpu.memory_space<semaphore_mem>>)
    %add3A_33 = arith.constant 24576 : i32
    %add3A_34 = arith.addi %add3A_33, %mul3A_2 : i32
    %dma_start3A_35 = arith.constant 0 : i32
    %dma_start3A_36 = tpu.memref_slice %arg3[%add3A_34, %dma_start3A_35] : memref<32768x256xf32, #tpu.memory_space<hbm>> -> memref<256x256xf32, #tpu.memory_space<hbm>>
    %dma_start3A_37 = arith.constant 0 : i32
    %dma_start3A_38 = tpu.memref_slice %arg3[%add3A_34, %dma_start3A_37] : memref<32768x256xf32, #tpu.memory_space<hbm>> -> memref<256x256xf32, #tpu.memory_space<hbm>>
    tpu.enqueue_dma source(%arg5 : memref<256x256xf32, #tpu.memory_space<vmem>>) target(%dma_start3A_38 : memref<256x256xf32, #tpu.memory_space<hbm>>) target_semaphore(%arg7 : memref<!tpu.dma_semaphore, #tpu.memory_space<semaphore_mem>>)
    %dma_wait3A_39 = arith.constant 0 : i32
    %dma_wait3A_40 = tpu.memref_slice %arg3[%add3A_16, %dma_wait3A_39] : memref<32768x256xf32, #tpu.memory_space<hbm>> -> memref<256x256xf32, #tpu.memory_space<hbm>>
    %dma_wait3A_41 = arith.constant 0 : i32
    %dma_wait3A_42 = tpu.memref_slice %arg3[%add3A_16, %dma_wait3A_41] : memref<32768x256xf32, #tpu.memory_space<hbm>> -> memref<256x256xf32, #tpu.memory_space<hbm>>
    tpu.wait_dma2 semaphore(%arg7 : memref<!tpu.dma_semaphore, #tpu.memory_space<semaphore_mem>>) src(%arg5 : memref<256x256xf32, #tpu.memory_space<vmem>>) dst(%dma_wait3A_42 : memref<256x256xf32, #tpu.memory_space<hbm>>)
    %dma_wait3A_43 = arith.constant 0 : i32
    %dma_wait3A_44 = tpu.memref_slice %arg3[%add3A_22, %dma_wait3A_43] : memref<32768x256xf32, #tpu.memory_space<hbm>> -> memref<256x256xf32, #tpu.memory_space<hbm>>
    %dma_wait3A_45 = arith.constant 0 : i32
    %dma_wait3A_46 = tpu.memref_slice %arg3[%add3A_22, %dma_wait3A_45] : memref<32768x256xf32, #tpu.memory_space<hbm>> -> memref<256x256xf32, #tpu.memory_space<hbm>>
    tpu.wait_dma2 semaphore(%arg7 : memref<!tpu.dma_semaphore, #tpu.memory_space<semaphore_mem>>) src(%arg5 : memref<256x256xf32, #tpu.memory_space<vmem>>) dst(%dma_wait3A_46 : memref<256x256xf32, #tpu.memory_space<hbm>>)
    %dma_wait3A_47 = arith.constant 0 : i32
    %dma_wait3A_48 = tpu.memref_slice %arg3[%add3A_28, %dma_wait3A_47] : memref<32768x256xf32, #tpu.memory_space<hbm>> -> memref<256x256xf32, #tpu.memory_space<hbm>>
    %dma_wait3A_49 = arith.constant 0 : i32
    %dma_wait3A_50 = tpu.memref_slice %arg3[%add3A_28, %dma_wait3A_49] : memref<32768x256xf32, #tpu.memory_space<hbm>> -> memref<256x256xf32, #tpu.memory_space<hbm>>
    tpu.wait_dma2 semaphore(%arg7 : memref<!tpu.dma_semaphore, #tpu.memory_space<semaphore_mem>>) src(%arg5 : memref<256x256xf32, #tpu.memory_space<vmem>>) dst(%dma_wait3A_50 : memref<256x256xf32, #tpu.memory_space<hbm>>)
    %dma_wait3A_51 = arith.constant 0 : i32
    %dma_wait3A_52 = tpu.memref_slice %arg3[%add3A_34, %dma_wait3A_51] : memref<32768x256xf32, #tpu.memory_space<hbm>> -> memref<256x256xf32, #tpu.memory_space<hbm>>
    %dma_wait3A_53 = arith.constant 0 : i32
    %dma_wait3A_54 = tpu.memref_slice %arg3[%add3A_34, %dma_wait3A_53] : memref<32768x256xf32, #tpu.memory_space<hbm>> -> memref<256x256xf32, #tpu.memory_space<hbm>>
    tpu.wait_dma2 semaphore(%arg7 : memref<!tpu.dma_semaphore, #tpu.memory_space<semaphore_mem>>) src(%arg5 : memref<256x256xf32, #tpu.memory_space<vmem>>) dst(%dma_wait3A_54 : memref<256x256xf32, #tpu.memory_space<hbm>>)
    return
  }
}

</mosaic_0001>

<sc_bundles>
// kernel: kernel.3.cloned.1.call-start
scs
__scs_entry_jumppad:
0x0: {  	(pc) =	sbr.rel $0x88, $3  }
0x1: {  	(tag) =	ssettag $0x0;
	lr =	simm.s32 $0x1  }
0x2: {  	[smem:$0x3FA0] =	sst lr;
	_ =	strace $0xD0000000  }
0x3: {  	_ = 	snop  }
0x4: {  	_ = 	snop  }
0x5: {  	_ = 	snop  }
0x6: {  	_ = 	snop  }
0x7: {  	_ = 	snop  }
__scs_overlays_trampoline_lowered:
0x8: {  	[smem:$0x3FAF] =	sst s0  }
0x9: {  	[smem:$0x3FB0] =	sst s1  }
0xa: {  	[smem:$0x3FB1] =	sst s2  }
0xb: {  	[smem:$0x3FB2] =	sst s3  }
0xc: {  	[smem:$0x3FB3] =	sst s4  }
0xd: {  	[smem:$0x3FB4] =	sst s5  }
0xe: {  	[smem:$0x3FB5] =	sst s6  }
0xf: {  	[smem:$0x3FB6] =	sst s7  }
0x10: {  	[smem:$0x3FB7] =	sst s8  }
0x11: {  	[smem:$0x3FB8] =	sst s9;
	s0 =	simm.s32 @!p0 $0x0  }
0x12: {  	s1 =	sld [smem:$0x3F9E];
	s0 =	simm.s32 @p0 $0x1  }
0x13: {  	[smem:$0x3FB9] =	sst s0;
	s0 =	simm.s32 @!p1 $0x0  }
0x14: {  	s2 =	sld [smem:$0x3F9D];
	s0 =	simm.s32 @p1 $0x1  }
0x15: {  	[smem:$0x3FBA] =	sst s0;
	s0 =	simm.s32 @!p2 $0x0  }
0x16: {  	s3 =	sld [smem:$0x3FDB];
	s0 =	simm.s32 @p2 $0x1  }
0x17: {  	s4 =	simm.s32 $0x1BF5;
	[smem:$0x3FBC] =	sst s0  }
0x18: {  	s0 =	sld [smem:$0x3F9F];
	_ =	swait.ge [sflag:s4], $0x0  }
0x19: {  	s7 =	sld [smem:$0x3FA0]  }
0x1a: {  	s8 =	sadd.s32 $0xFFFFE003, lr  }
0x1b: {  	s9 =	sadd.s32 $0xFFFFFEF7, lr;
	s5 =	simm.s32 $0xFFFFFFFF;
	p2 =	slt.u32 s8, $0xFFFFF086  }
0x1c: {  	p1 =	slt.u32 s9, $0xF7A;
	s5 =	simm.s32 @!p2 $0x0  }
0x1d: {  	s5 =	simm.s32 @p1 $0x1;
	p0 =	seq.s32 s7, s2  }
0x1e: {  	s7 =	smul.u32 @!p0 $0xF7A, s2;
	p2 =	seq.s32 @!p0 s5, $0x0  }
0x1f: {  	s9 =	smul.u32 $0xF7A, s1;
	s8 =	simm.s32 @!p0 $0x1BF5;
	p2 =	por !p2, p0  }
0x20: {  	[sflag:s8] =	ssyncset.s32 @!p0 $0xFFFFF086;
	s6 =	sadd.s32 @!p0 s3, s7;
	s7 =	simm.s32 @!p0 $0x108  }
0x21: {  	s3 =	sadd.s32 s3, s9;
	s6 =	sadd.s32 @!p0 $0x88, s6;
	s7 =	simm.s32 @p2 $0x1082  }
0x22: {  	[simem:s7], [sflag:s8] =	dma.local @!p0 [hbm:s6], $0xF7A  }
0x23: {  	s9 =	sor.u32 $0xD0000000, s2;
	s6 =	simm.s32 $0x108;
	_ =	swait.ge @!p0 [sflag:s8], $0x0  }
0x24: {  	s3 =	sadd.s32 $0x88, s3;
	s6 =	simm.s32 @!p1 $0x1082;
	[sflag:s4] =	ssyncset.s32 $0xFFFFF086  }
0x25: {  	[simem:s6], [sflag:s4] =	dma.local [hbm:s3], $0xF7A  }
0x26: {  	[smem:$0x3FA0] =	sst s1;
	(tag) =	ssettag s2;
	_ =	strace s9  }
0x27: {  	s1 =	sld [smem:$0x3FB0]  }
0x28: {  	s2 =	sld [smem:$0x3FB1]  }
0x29: {  	s4 =	sld [smem:$0x3FB3]  }
0x2a: {  	p0 =	seq.s32 s5, $0x0;
	s5 =	sld [smem:$0x3FB4]  }
0x2b: {  	s6 =	sld [smem:$0x3FB5]  }
0x2c: {  	s7 =	sld [smem:$0x3FB6]  }
0x2d: {  	s3 =	simm.s32 $0x108;
	s8 =	sld [smem:$0x3FB7]  }
0x2e: {  	s3 =	simm.s32 @!p0 $0x1082;
	s9 =	sld [smem:$0x3FB8]  }
0x2f: {  	lr =	sadd.s32 s0, s3;
	s0 =	sld [smem:$0x3FAF]  }
0x30: {  	s3 =	sld [smem:$0x3FB2]  }
0x31: {  	[smem:$0x3FBB] =	sst s10  }
0x32: {  	s10 =	sld [smem:$0x3FB9];
	_ =	sdelay $0x3  }
0x33: {  	p0 =	seq.s32 s10, $0x1;
	s10 =	sld [smem:$0x3FBB];
	_ =	sdelay $0x3  }
0x34: {  	[smem:$0x3FBB] =	sst s10  }
0x35: {  	s10 =	sld [smem:$0x3FBA];
	_ =	sdelay $0x3  }
0x36: {  	p1 =	seq.s32 s10, $0x1;
	s10 =	sld [smem:$0x3FBB];
	_ =	sdelay $0x3  }
0x37: {  	[smem:$0x3FBB] =	sst s10  }
0x38: {  	s10 =	sld [smem:$0x3FBC]  }
0x39: {  	_ = 	snop;
	(pc) =	sbr.ind lr, $3  }
0x3a: {  	_ = 	snop  }
0x3b: {  	_ = 	snop  }
0x3c: {  	p2 =	seq.s32 s10, $0x1;
	s10 =	sld [smem:$0x3FBB]  }
0x3d: {  	_ =	shalt  }
0x3e: {  	_ =	shalt  }
0x3f: {  	_ =	shalt  }
0x40: {  	_ =	shalt  }
0x41: {  	_ =	shalt  }
0x42: {  	_ =	shalt  }
0x43: {  	_ =	shalt  }
0x44: {  	_ =	shalt  }
0x45: {  	_ =	shalt  }
0x46: {  	_ =	shalt  }
0x47: {  	_ =	shalt  }
0x48: {  	_ =	shalt  }
0x49: {  	_ =	shalt  }
0x4a: {  	_ =	shalt  }
0x4b: {  	_ =	shalt  }
0x4c: {  	_ =	shalt  }
0x4d: {  	_ =	shalt  }
0x4e: {  	_ =	shalt  }
0x4f: {  	_ =	shalt  }
0x50: {  	_ =	shalt  }
0x51: {  	_ =	shalt  }
0x52: {  	_ =	shalt  }
0x53: {  	_ =	shalt  }
0x54: {  	_ =	shalt  }
0x55: {  	_ =	shalt  }
0x56: {  	_ =	shalt  }
0x57: {  	_ =	shalt  }
0x58: {  	_ =	shalt  }
0x59: {  	_ =	shalt  }
0x5a: {  	_ =	shalt  }
0x5b: {  	_ =	shalt  }
0x5c: {  	_ =	shalt  }
0x5d: {  	_ =	shalt  }
0x5e: {  	_ =	shalt  }
0x5f: {  	_ =	shalt  }
0x60: {  	_ =	shalt  }
0x61: {  	_ =	shalt  }
0x62: {  	_ =	shalt  }
0x63: {  	_ =	shalt  }
0x64: {  	_ =	shalt  }
0x65: {  	_ =	shalt  }
0x66: {  	_ =	shalt  }
0x67: {  	_ =	shalt  }
0x68: {  	_ =	shalt  }
0x69: {  	_ =	shalt  }
0x6a: {  	_ =	shalt  }
0x6b: {  	_ =	shalt  }
0x6c: {  	_ =	shalt  }
0x6d: {  	_ =	shalt  }
0x6e: {  	_ =	shalt  }
0x6f: {  	_ =	shalt  }
0x70: {  	_ =	shalt  }
0x71: {  	_ =	shalt  }
0x72: {  	_ =	shalt  }
0x73: {  	_ =	shalt  }
0x74: {  	_ =	shalt  }
0x75: {  	_ =	shalt  }
0x76: {  	_ =	shalt  }
0x77: {  	_ =	shalt  }
0x78: {  	_ =	shalt  }
0x79: {  	_ =	shalt  }
0x7a: {  	_ =	shalt  }
0x7b: {  	_ =	shalt  }
0x7c: {  	_ =	shalt  }
0x7d: {  	_ =	shalt  }
0x7e: {  	_ =	shalt  }
0x7f: {  	_ =	shalt  }
0x80: {  	_ =	shalt  }
0x81: {  	_ =	shalt  }
0x82: {  	_ =	shalt  }
0x83: {  	_ =	shalt  }
0x84: {  	_ =	shalt  }
0x85: {  	_ =	shalt  }
0x86: {  	_ =	shalt  }
0x87: {  	_ =	shalt  }
.Lfunc_end0:
.L_simem_size_0:
called_computation_lowered:
.L_overlay_start_0:
0x88: {  	s2 =	sld [smem:$0x3FD9]  }
0x89: {  	s3 =	sld [smem:$0x3FFE];
	_ =	sdelay $0x1  }
0x8a: {  	s1 =	srdreg.scid  }
0x8b: {  	s0 =	sand.u32 $0x1, s1  }
0x8c: {  	s18 =	sshll.u32 s0, $0xA;
	s2 =	sadd.s32 s3, s2  }
0x8d: {  	s2 =	sadd.s32 s2, s18  }
0x8e: {  	[smem:$0x3FC7] =	sst s2  }
0x8f: {  	_ = 	snop  }
0x90: {  	s2 =	sld [smem:$0x3FC9]  }
0x91: {  	s19 =	sld [smem:$0x3FD0];
	(tm) =	ssettm $0x1  }
0x92: {  	s4 =	sld [smem:$0x3FFB];
	_ =	sdelay $0x3  }
0x93: {  	_ =	strace s4  }
0x94: {  	s4 =	sld [smem:$0x3FFC];
	_ =	sdelay $0x3  }
0x95: {  	_ =	strace s4  }
0x96: {  	s4 =	sld [smem:$0x3FFD];
	_ =	sdelay $0x3  }
0x97: {  	_ =	strace s4  }
0x98: {  	_ =	strace $0x8FFFFFFF  }
0x99: {  	s20 =	sld [smem:$0x3FDB];
	_ =	sdelay $0x1  }
0x9a: {  	s5 =	simm.s32 $_scs_section_size  }
0x9b: {  	s6 =	simm.s32 $_size__tile_overlayer_lowered;
	s7 =	simm.s32 $_tile_overlayer_lowered  }
0x9c: {  	s23 =	simm.s32 $0x1BFF;
	s22 =	sshll.u32 s7, $0x1;
	s4 =	sadd.s32 s5, s20  }
0x9d: {  	s8 =	simm.s32 $0x0;
	s21 =	sshll.u32 s6, $0x1;
	s6 =	sadd.s32 s22, s4  }
0x9e: {  	[timem:s8], [sflag:s23] =	dma.local [hbm:s6], s21  }
0x9f: {  	_ =	swait.ge [sflag:s23], s21  }
0xa0: {  	s5 =	ssub.s32 $0x0, s21;
	[sflag:s23] =	ssyncset.done $0x0  }
0xa1: {  	[sflag:s23] =	ssyncadd.s32 s5;
	_ =	sdelay $0x1  }
0xa2: {  	s24 =	simm.s32 $0x1B8B  }
0xa3: {  	_ =	swait.ge [sflag:s24], $0x1  }
0xa4: {  	[sflag:s24] =	ssyncset.done $0x0  }
0xa5: {  	s25 =	simm.s32 $0x1B8E;
	[sflag:s24] =	ssyncadd.s32 $0xFFFFFFFF  }
0xa6: {  	s26 =	simm.s32 $execute0_lowered;
	[smem:$0x3FD2] =	sst s25  }
0xa7: {  	s5 =	sshll.u32 s26, $0x1;
	_ =	strace $0x80000046;
	[dreg:$0x1] =	wrdreg $0xFFFFFFFF  }
0xa8: {  	s28 =	simm.s32 $_size_execute0_lowered;
	s4 =	sadd.s32 s4, s5;
	[dreg:$0x0] =	wrdreg $0x0  }
0xa9: {  	s5 =	sshll.u32 s28, $0x1;
	[dreg:$0x2] =	wrdreg s4  }
0xaa: {  	[dreg:$0x3] =	wrdreg s5  }
0xab: {  	[dreg:$0x4] =	wrdreg $0xC0  }
0xac: {  	_ =	task [dreg:s8], $0x5FFFF  }
0xad: {  	[dreg:$0x1] =	wrdreg $0xFFFFFFFF  }
0xae: {  	[dreg:$0x0] =	wrdreg $0x60  }
0xaf: {  	[dreg:$0x2] =	wrdreg s2  }
0xb0: {  	[dreg:$0x3] =	wrdreg s19  }
0xb1: {  	[dreg:$0x4] =	wrdreg $0x9  }
0xb2: {  	_ =	task.clear_ibuf [dreg:s8], $0x5FFFF;
	_ =	strace $0x90000046  }
0xb3: {  	s29 =	simm.s32 $0x9;
	_ =	strace $0x80000048  }
0xb4: {  	_ =	swait.ge [sflag:s29], $0x1  }
0xb5: {  	[sflag:s29] =	ssyncadd.s32 $0xFFFFFFFF  }
0xb6: {  	_ =	strace $0x90000048  }
0xb7: {  	_ =	sfence  }
0xb8: {  	s30 =	sld [smem:$0x0];
	_ =	sdelay $0x2  }
0xb9: {  	s31 =	sshll.u32 s1, $0xD;
	s1 =	sshrl.u32 s1, $0x2  }
0xba: {  	s3 =	sand.u32 $0x4000, s31;
	s1 =	sadd.s32 s1, s30  }
0xbb: {  	s0 =	sor.u32 s3, s0;
	s1 =	sshll.u32 s1, $0x11  }
0xbc: {  	s0 =	sor.u32 s1, s0  }
0xbd: {  	s0 =	sadd.s32 $0x8F2B, s0  }
0xbe: {  	[sflag:s0] =	ssyncadd.remote.s32 $0x1  }
0xbf: {  	_ =	sfence.sel $0xFFFF  }
0xc0: {  	[dreg:$0x0] =	wrdreg $0xFFFFFFFF;
	(pc) =	sbr.abs _section_cstart, $3  }
0xc1: {  	[dreg:$0x1] =	wrdreg $0xFFFFFFFF  }
0xc2: {  	_ =	task.clear_ibuf [dreg:s8], $0x2FFFF;
	_ =	strace $0x9FFFFFFF  }
0xc3: {  	(tm) =	ssettm $0x7FFFFFFF  }
tec
execute0_lowered:
.L_overlay_start_1:
0x0: {  	(tag) =	ssettag $0x1  }
0x1: {  	s4 =	rddreg [dreg:$0x0]  }
0x2: {  	s3 =	rddreg [dreg:$0x1];
	s2 =	srdreg.scid  }
0x3: {  	s0 =	rddreg [dreg:$0x2];
	s1 =	stileid.u32;
	s10 =	simm.s32 $0x2000  }
0x4: {  	s11 =	simm.s32 $0x2;
	s12 =	simm.s32 $0x0;
	s5 =	sand.u32 $0x1, s2  }
0x5: {  	s2 =	simm.s32 $0x0;
	s6 =	sshll.u32 s1, $0x9;
	s7 =	sshll.u32 s5, $0x8  }
0x6: {  	[smem:$0x7FF] =	sst s2;
	s5 =	ssub.s32 $0x2, s5;
	s6 =	sor.u32 s7, s6  }
0x7: {  	_ =	strace $0x80000047;
	s30 =	sshrl.u32 s5, $0x1;
	s8 =	sshll.u32 s6, $0x5  }
0x8: {  	s9 =	ssub.s32 s5, s30;
	s31 =	sshll.u32 s6, $0x2;
	s3 =	sadd.s32 s3, s8  }
0x9: {  	s4 =	sadd.s32 s4, s31;
	s8 =	smax.u32 s9, $0x1;
	s9 =	simm.s32 $0x1  }
0xa: {  	s5 =	sadd.s32 $0x40000, s3;
	s6 =	sadd.s32 $0x80000, s3;
	s7 =	sadd.s32 $0xC0000, s3  }
.LBB2_1:
0xb: {  	[tilespmem:s2], [sflag:$0x1] =	stream.linear.gather [hbm4b:s4+s2], $0x2000, $0x38;
	[tilespmem:$0x12000] =	vst v63  }
0xc: {  	_ =	swait.ge [sflag:s9], $0x2000  }
0xd: {  	s13 =	simm.s32 $0x2400;
	[sflag:s9] =	ssyncset.done $0x0  }
0xe: {  	s14 =	simm.s32 $0x0;
	s15 =	simm.s32 $0x0;
	[sflag:s9] =	ssyncadd.s32 $0xFFFFE000  }
.LBB2_2:
0xf: {  	s16 =	sand.u32 $0x1800, s15;
	s17 =	sand.u32 $0x380, s14  }
0x10: {  	s16 =	sor.u32 s17, s16  }
0x11: {  	v0 =	vld [tilespmem:s16+$0x0];
	_ =	sdelay $0x4  }
0x12: {  	[tilespmem:s13+$0xFFFFFC00] =	vst v0  }
0x13: {  	[tilespmem:s13+$0xFFFFFC80] =	vst v0  }
0x14: {  	[tilespmem:s13+$0xFFFFFD00] =	vst v0  }
0x15: {  	[tilespmem:s13+$0xFFFFFD80] =	vst v0  }
0x16: {  	[tilespmem:s13+$0xFFFFFE00] =	vst v0  }
0x17: {  	[tilespmem:s13+$0xFFFFFE80] =	vst v0  }
0x18: {  	[tilespmem:s13+$0xFFFFFF00] =	vst v0  }
0x19: {  	[tilespmem:s13+$0xFFFFFF80] =	vst v0  }
0x1a: {  	v0 =	vld [tilespmem:s16+$0x10];
	_ =	sdelay $0x4  }
0x1b: {  	[tilespmem:s13+$0xFFFFFC10] =	vst v0  }
0x1c: {  	[tilespmem:s13+$0xFFFFFC90] =	vst v0  }
0x1d: {  	[tilespmem:s13+$0xFFFFFD10] =	vst v0  }
0x1e: {  	[tilespmem:s13+$0xFFFFFD90] =	vst v0  }
0x1f: {  	[tilespmem:s13+$0xFFFFFE10] =	vst v0  }
0x20: {  	[tilespmem:s13+$0xFFFFFE90] =	vst v0  }
0x21: {  	[tilespmem:s13+$0xFFFFFF10] =	vst v0  }
0x22: {  	[tilespmem:s13+$0xFFFFFF90] =	vst v0  }
0x23: {  	v0 =	vld [tilespmem:s16+$0x20];
	_ =	sdelay $0x4  }
0x24: {  	[tilespmem:s13+$0xFFFFFC20] =	vst v0  }
0x25: {  	[tilespmem:s13+$0xFFFFFCA0] =	vst v0  }
0x26: {  	[tilespmem:s13+$0xFFFFFD20] =	vst v0  }
0x27: {  	[tilespmem:s13+$0xFFFFFDA0] =	vst v0  }
0x28: {  	[tilespmem:s13+$0xFFFFFE20] =	vst v0  }
0x29: {  	[tilespmem:s13+$0xFFFFFEA0] =	vst v0  }
0x2a: {  	[tilespmem:s13+$0xFFFFFF20] =	vst v0  }
0x2b: {  	[tilespmem:s13+$0xFFFFFFA0] =	vst v0  }
0x2c: {  	v0 =	vld [tilespmem:s16+$0x30];
	_ =	sdelay $0x4  }
0x2d: {  	[tilespmem:s13+$0xFFFFFC30] =	vst v0  }
0x2e: {  	[tilespmem:s13+$0xFFFFFCB0] =	vst v0  }
0x2f: {  	[tilespmem:s13+$0xFFFFFD30] =	vst v0  }
0x30: {  	[tilespmem:s13+$0xFFFFFDB0] =	vst v0  }
0x31: {  	[tilespmem:s13+$0xFFFFFE30] =	vst v0  }
0x32: {  	[tilespmem:s13+$0xFFFFFEB0] =	vst v0  }
0x33: {  	[tilespmem:s13+$0xFFFFFF30] =	vst v0  }
0x34: {  	[tilespmem:s13+$0xFFFFFFB0] =	vst v0  }
0x35: {  	v0 =	vld [tilespmem:s16+$0x40];
	_ =	sdelay $0x4  }
0x36: {  	[tilespmem:s13+$0xFFFFFC40] =	vst v0  }
0x37: {  	[tilespmem:s13+$0xFFFFFCC0] =	vst v0  }
0x38: {  	[tilespmem:s13+$0xFFFFFD40] =	vst v0  }
0x39: {  	[tilespmem:s13+$0xFFFFFDC0] =	vst v0  }
0x3a: {  	[tilespmem:s13+$0xFFFFFE40] =	vst v0  }
0x3b: {  	[tilespmem:s13+$0xFFFFFEC0] =	vst v0  }
0x3c: {  	[tilespmem:s13+$0xFFFFFF40] =	vst v0  }
0x3d: {  	[tilespmem:s13+$0xFFFFFFC0] =	vst v0  }
0x3e: {  	v0 =	vld [tilespmem:s16+$0x50];
	_ =	sdelay $0x4  }
0x3f: {  	[tilespmem:s13+$0xFFFFFC50] =	vst v0  }
0x40: {  	[tilespmem:s13+$0xFFFFFCD0] =	vst v0  }
0x41: {  	[tilespmem:s13+$0xFFFFFD50] =	vst v0  }
0x42: {  	[tilespmem:s13+$0xFFFFFDD0] =	vst v0  }
0x43: {  	[tilespmem:s13+$0xFFFFFE50] =	vst v0  }
0x44: {  	[tilespmem:s13+$0xFFFFFED0] =	vst v0  }
0x45: {  	[tilespmem:s13+$0xFFFFFF50] =	vst v0  }
0x46: {  	[tilespmem:s13+$0xFFFFFFD0] =	vst v0  }
0x47: {  	v0 =	vld [tilespmem:s16+$0x60];
	_ =	sdelay $0x4  }
0x48: {  	[tilespmem:s13+$0xFFFFFC60] =	vst v0  }
0x49: {  	[tilespmem:s13+$0xFFFFFCE0] =	vst v0  }
0x4a: {  	[tilespmem:s13+$0xFFFFFD60] =	vst v0  }
0x4b: {  	[tilespmem:s13+$0xFFFFFDE0] =	vst v0  }
0x4c: {  	[tilespmem:s13+$0xFFFFFE60] =	vst v0  }
0x4d: {  	[tilespmem:s13+$0xFFFFFEE0] =	vst v0  }
0x4e: {  	[tilespmem:s13+$0xFFFFFF60] =	vst v0  }
0x4f: {  	[tilespmem:s13+$0xFFFFFFE0] =	vst v0  }
0x50: {  	v0 =	vld [tilespmem:s16+$0x70];
	_ =	sdelay $0x4  }
0x51: {  	[tilespmem:s13+$0xFFFFFC70] =	vst v0  }
0x52: {  	[tilespmem:s13+$0xFFFFFCF0] =	vst v0  }
0x53: {  	[tilespmem:s13+$0xFFFFFD70] =	vst v0  }
0x54: {  	[tilespmem:s13+$0xFFFFFDF0] =	vst v0  }
0x55: {  	[tilespmem:s13+$0xFFFFFE70] =	vst v0  }
0x56: {  	[tilespmem:s13+$0xFFFFFEF0] =	vst v0  }
0x57: {  	[tilespmem:s13+$0xFFFFFF70] =	vst v0  }
0x58: {  	[tilespmem:s13+$0xFFFFFFF0] =	vst v0  }
0x59: {  	v0 =	vld [tilespmem:s16+$0x400];
	_ =	sdelay $0x4  }
0x5a: {  	[tilespmem:s13+$0x0] =	vst v0  }
0x5b: {  	[tilespmem:s13+$0x80] =	vst v0  }
0x5c: {  	[tilespmem:s13+$0x100] =	vst v0  }
0x5d: {  	[tilespmem:s13+$0x180] =	vst v0  }
0x5e: {  	[tilespmem:s13+$0x200] =	vst v0  }
0x5f: {  	[tilespmem:s13+$0x280] =	vst v0  }
0x60: {  	[tilespmem:s13+$0x300] =	vst v0  }
0x61: {  	[tilespmem:s13+$0x380] =	vst v0  }
0x62: {  	v0 =	vld [tilespmem:s16+$0x410];
	_ =	sdelay $0x4  }
0x63: {  	[tilespmem:s13+$0x10] =	vst v0  }
0x64: {  	[tilespmem:s13+$0x90] =	vst v0  }
0x65: {  	[tilespmem:s13+$0x110] =	vst v0  }
0x66: {  	[tilespmem:s13+$0x190] =	vst v0  }
0x67: {  	[tilespmem:s13+$0x210] =	vst v0  }
0x68: {  	[tilespmem:s13+$0x290] =	vst v0  }
0x69: {  	[tilespmem:s13+$0x310] =	vst v0  }
0x6a: {  	[tilespmem:s13+$0x390] =	vst v0  }
0x6b: {  	v0 =	vld [tilespmem:s16+$0x420];
	_ =	sdelay $0x4  }
0x6c: {  	[tilespmem:s13+$0x20] =	vst v0  }
0x6d: {  	[tilespmem:s13+$0xA0] =	vst v0  }
0x6e: {  	[tilespmem:s13+$0x120] =	vst v0  }
0x6f: {  	[tilespmem:s13+$0x1A0] =	vst v0  }
0x70: {  	[tilespmem:s13+$0x220] =	vst v0  }
0x71: {  	[tilespmem:s13+$0x2A0] =	vst v0  }
0x72: {  	[tilespmem:s13+$0x320] =	vst v0  }
0x73: {  	[tilespmem:s13+$0x3A0] =	vst v0  }
0x74: {  	v0 =	vld [tilespmem:s16+$0x430];
	_ =	sdelay $0x4  }
0x75: {  	[tilespmem:s13+$0x30] =	vst v0  }
0x76: {  	[tilespmem:s13+$0xB0] =	vst v0  }
0x77: {  	[tilespmem:s13+$0x130] =	vst v0  }
0x78: {  	[tilespmem:s13+$0x1B0] =	vst v0  }
0x79: {  	[tilespmem:s13+$0x230] =	vst v0  }
0x7a: {  	[tilespmem:s13+$0x2B0] =	vst v0  }
0x7b: {  	[tilespmem:s13+$0x330] =	vst v0  }
0x7c: {  	[tilespmem:s13+$0x3B0] =	vst v0  }
0x7d: {  	v0 =	vld [tilespmem:s16+$0x440];
	_ =	sdelay $0x4  }
0x7e: {  	[tilespmem:s13+$0x40] =	vst v0  }
0x7f: {  	[tilespmem:s13+$0xC0] =	vst v0  }
0x80: {  	[tilespmem:s13+$0x140] =	vst v0  }
0x81: {  	[tilespmem:s13+$0x1C0] =	vst v0  }
0x82: {  	[tilespmem:s13+$0x240] =	vst v0  }
0x83: {  	[tilespmem:s13+$0x2C0] =	vst v0  }
0x84: {  	[tilespmem:s13+$0x340] =	vst v0  }
0x85: {  	[tilespmem:s13+$0x3C0] =	vst v0  }
0x86: {  	v0 =	vld [tilespmem:s16+$0x450];
	_ =	sdelay $0x4  }
0x87: {  	[tilespmem:s13+$0x50] =	vst v0  }
0x88: {  	[tilespmem:s13+$0xD0] =	vst v0  }
0x89: {  	[tilespmem:s13+$0x150] =	vst v0  }
0x8a: {  	[tilespmem:s13+$0x1D0] =	vst v0  }
0x8b: {  	[tilespmem:s13+$0x250] =	vst v0  }
0x8c: {  	[tilespmem:s13+$0x2D0] =	vst v0  }
0x8d: {  	[tilespmem:s13+$0x350] =	vst v0  }
0x8e: {  	[tilespmem:s13+$0x3D0] =	vst v0  }
0x8f: {  	v0 =	vld [tilespmem:s16+$0x460];
	_ =	sdelay $0x4  }
0x90: {  	[tilespmem:s13+$0x60] =	vst v0  }
0x91: {  	[tilespmem:s13+$0xE0] =	vst v0  }
0x92: {  	[tilespmem:s13+$0x160] =	vst v0  }
0x93: {  	[tilespmem:s13+$0x1E0] =	vst v0  }
0x94: {  	[tilespmem:s13+$0x260] =	vst v0  }
0x95: {  	[tilespmem:s13+$0x2E0] =	vst v0  }
0x96: {  	[tilespmem:s13+$0x360] =	vst v0  }
0x97: {  	[tilespmem:s13+$0x3E0] =	vst v0  }
0x98: {  	v0 =	vld [tilespmem:s16+$0x470];
	_ =	sdelay $0x4  }
0x99: {  	[tilespmem:s13+$0x70] =	vst v0  }
0x9a: {  	[tilespmem:s13+$0xF0] =	vst v0  }
0x9b: {  	p0 =	sne.s32 s15, $0x1F00;
	[tilespmem:s13+$0x170] =	vst v0  }
.Ltmp0:
0x9c: {  	[tilespmem:s13+$0x1F0] =	vst v0;
	(pc) =	sbr.rel @p0 .LBB2_2-.Ltmp0, $4  }
0x9d: {  	[tilespmem:s13+$0x270] =	vst v0  }
0x9e: {  	[tilespmem:s13+$0x2F0] =	vst v0  }
0x9f: {  	[tilespmem:s13+$0x370] =	vst v0  }
0xa0: {  	s14 =	sadd.s32 $0x80, s14;
	s15 =	sadd.s32 $0x100, s15;
	[tilespmem:s13+$0x3F0] =	vst v0;
	s13 =	sadd.s32 $0x800, s13  }
0xa1: {  	[hbm4b:s3+s2] =	stream.linear.scatter [tilespmem:s10], [sflag:$0x2], $0x10000, $0x38;
	[tilespmem:$0x12000] =	vst v63  }
0xa2: {  	_ = 	snop  }
0xa3: {  	[hbm4b:s5+s2] =	stream.linear.scatter [tilespmem:s10], [sflag:$0x2], $0x10000, $0x38;
	[tilespmem:$0x12000] =	vst v63  }
0xa4: {  	_ = 	snop  }
0xa5: {  	[hbm4b:s6+s2] =	stream.linear.scatter [tilespmem:s10], [sflag:$0x2], $0x10000, $0x38;
	[tilespmem:$0x12000] =	vst v63  }
0xa6: {  	_ = 	snop  }
0xa7: {  	[hbm4b:s7+s2] =	stream.linear.scatter [tilespmem:s10], [sflag:$0x2], $0x10000, $0x38;
	[tilespmem:$0x12000] =	vst v63  }
0xa8: {  	_ =	swait.ge [sflag:s11], $0x10000  }
0xa9: {  	[sflag:s11] =	ssyncset.done $0x0  }
0xaa: {  	[sflag:s11] =	ssyncadd.s32 $0xFFFF0000  }
0xab: {  	_ =	swait.ge [sflag:s11], $0x10000  }
0xac: {  	[sflag:s11] =	ssyncset.done $0x0  }
0xad: {  	s12 =	sadd.s32 $0x1, s12;
	[sflag:s11] =	ssyncadd.s32 $0xFFFF0000  }
0xae: {  	p0 =	sne.s32 s12, s8;
	_ =	swait.ge [sflag:s11], $0x10000  }
.Ltmp1:
0xaf: {  	[sflag:s11] =	ssyncset.done $0x0;
	(pc) =	sbr.rel @p0 .LBB2_1-.Ltmp1, $4  }
0xb0: {  	[sflag:s11] =	ssyncadd.s32 $0xFFFF0000  }
0xb1: {  	_ =	swait.ge [sflag:s11], $0x10000  }
0xb2: {  	[sflag:s11] =	ssyncset.done $0x0  }
0xb3: {  	[sflag:s11] =	ssyncadd.s32 $0xFFFF0000  }
0xb4: {  	_ =	sfence.sel $0x180000  }
0xb5: {  	[bflag:$0x0] =	sbarrier.arrive $0xFFFF  }
0xb6: {  	p0 =	sne.s32 s1, $0x0;
	_ =	strace $0x90000047  }
0xb7: {  	s0 =	sadd.s32 @!p0 $0x100000, s0;
	[bflag:$0x2] =	sbarrier.arrive $0xFFFF  }
0xb8: {  	[sflag:s0] =	ssyncadd.tile.s32 @!p0 $0x1;
	_ =	shalt  }
.Lfunc_end2:
_tile_overlayer_lowered:
.L_overlay_start_2:
0xb9: {  	(tag) =	ssettag $0x2  }
0xba: {  	s0 =	rddreg [dreg:$0x0];
	s2 =	stileid.u32  }
0xbb: {  	s1 =	rddreg [dreg:$0x1];
	p0 =	sne.s32 s2, $0x0  }
0xbc: {  	s3 =	rddreg [dreg:$0x2];
	[bflag:$0x3] =	sbarrier.arrive $0xFFFF;
	s2 =	simm.s32 @!p0 $0x1C03  }
0xbd: {  	[timem:s3], [sflag:s2] =	dma.local @!p0 [hbm:s0], s1  }
0xbe: {  	s0 =	simm.s32 @!p0 $0x3  }
0xbf: {  	_ =	swait.ge @!p0 [sflag:s0], s1  }
0xc0: {  	s1 =	ssub.s32 @!p0 $0x0, s1;
	[sflag:s0] =	ssyncset.done @!p0 $0x0  }
0xc1: {  	[sflag:s0] =	ssyncadd.s32 @!p0 s1  }
0xc2: {  	[bflag:$0x3] =	sbarrier.arrive $0xFFFF  }
0xc3: {  	_ =	shalt  }

</sc_bundles>
